<compile_context>
chip_gen: v7x
topology: tpu7x:2x2x1
jax: 0.10.2.dev20260603
libtpu: 0.0.44.dev20260713+nightly
codegen_flags: <defaults>
</compile_context>

<pallas_src>
import functools

import jax
import jax.numpy as jnp
from jax import lax
from jax.experimental import pallas as pl
from jax.experimental.pallas import tpu as pltpu
from jax.experimental.pallas import tpu_sc as plsc

D = 64
DP = 128
LANE = 128
G = 1
NBUF = 10
N_WORKERS = 32


def _gather_kernel(n_rows):
    rows_per_w = n_rows // N_WORKERS
    n_chunks = rows_per_w // G
    mesh = plsc.VectorSubcoreMesh(core_axis_name="c", subcore_axis_name="s")

    @functools.partial(
        pl.kernel,
        mesh=mesh,
        out_type=jax.ShapeDtypeStruct((n_rows, LANE, DP), jnp.float32),
        scratch_types=(
            [pltpu.VMEM((rows_per_w, LANE), jnp.int32),
             pltpu.VMEM((NBUF, G, LANE, D), jnp.float32)]
            + [pltpu.SemaphoreType.DMA] * (2 * NBUF)
        ),
        compiler_params=pltpu.CompilerParams(use_tc_tiling_on_sc=False),
    )
    def body(ids_hbm, table_hbm, out_hbm, idx_v, rows_v, *sems):
        gsems = sems[:NBUF]
        ssems = sems[NBUF:]
        wid = lax.axis_index("s") * 2 + lax.axis_index("c")
        base = wid * rows_per_w

        pltpu.sync_copy(ids_hbm.at[pl.ds(base, rows_per_w)], idx_v)

        def fire(k, slot):
            for j in range(G):
                pltpu.async_copy(
                    table_hbm.at[idx_v.at[k * G + j]],
                    rows_v.at[slot, j],
                    gsems[slot],
                )

        def drain_and_store(k, slot):
            for j in range(G):
                pltpu.make_async_copy(
                    table_hbm.at[idx_v.at[k * G + j]],
                    rows_v.at[slot, j],
                    gsems[slot],
                ).wait()
            r0 = base + k * G
            pltpu.async_copy(rows_v.at[slot],
                             out_hbm.at[pl.ds(r0, G), :, pl.ds(0, D)],
                             ssems[slot])

        def wait_store(k, slot):
            r0 = base + k * G
            pltpu.make_async_copy(rows_v.at[slot],
                                  out_hbm.at[pl.ds(r0, G), :, pl.ds(0, D)],
                                  ssems[slot]).wait()

        for k in range(NBUF):
            fire(k, k)
            if k >= 1:
                drain_and_store(k - 1, k - 1)

        def outer(g, carry):
            k0 = g * NBUF
            for b in range(NBUF):
                k = k0 + b
                @pl.when(k - NBUF < n_chunks)
                def _():
                    wait_store(k - NBUF, b)
                @pl.when(k < n_chunks)
                def _():
                    fire(k, b)
                @pl.when(k - 1 < n_chunks)
                def _():
                    drain_and_store(k - 1, (b - 1) % NBUF)
            return carry

        n_groups = -(-(n_chunks + 1 - NBUF) // NBUF)
        lax.fori_loop(1, 1 + n_groups, outer, 0)

        k_last = (1 + n_groups) * NBUF - 1
        for k in range(max(0, k_last - NBUF + 1), n_chunks):
            wait_store(k, k % NBUF)

    return body


def kernel(ids, masks, lengths, extras, table):
    B, L = ids.shape
    n_idx = B * L
    n_rows = n_idx // LANE
    ids2 = (ids * 2).reshape(n_rows, LANE)
    table_pair = jnp.pad(table, ((0, 0), (0, DP - D))).reshape(-1, D)
    out = _gather_kernel(n_rows)(ids2, table_pair)
    emb = out.reshape(n_idx, DP)[:, :D].reshape(B, L, D)
    return (emb, masks, lengths, extras)

# --- scband reference (transcript-rebuilt; emitter-appended) ---
"""Pipeline reference for scband-embedding-layer-35777077575864 (READ-ONLY COPY).

The authoritative reference and input builder live on the scoring server;
editing this copy changes nothing except your own understanding.
"""

import jax, jax.numpy as jnp
import numpy as np

VOCAB = 1000000
PAD_IDX = 1000000
D = 64
B = 4096
L = 200


def setup_inputs(seed: int = 0) -> dict:
    key = jax.random.key(seed)
    k1, k2, k3, k4 = jax.random.split(key, 4)
    ids = jax.random.randint(k1, (B, L), 0, PAD_IDX + 1)
    masks = jnp.ones((B, L), dtype=jnp.float32)
    lengths = jax.random.randint(k2, (B,), 0, L).astype(jnp.int32)
    extras = jax.random.uniform(k3, (B, 8), dtype=jnp.float32)
    # Pretrained embedding table with row 0 and the padding row zeroed,
    # mirroring the original zero-initialized embedding_matrix layout.
    table = jax.random.normal(k4, (PAD_IDX + 1, D), dtype=jnp.float32) * 0.02
    table = table.at[0].set(0.0)
    table = table.at[PAD_IDX].set(0.0)
    return {"ids": ids, "masks": masks, "lengths": lengths, "extras": extras, "table": table}


def reference(ids, masks, lengths, extras, table):
    # nn.Embedding lookup (frozen pretrained table)
    emb = jnp.take(table, ids, axis=0)
    # Dropout is identity in eval mode, so no-op here.
    return (emb, masks, lengths, extras)

if __name__ == "__main__":
    import jax
    _d = setup_inputs()
    print(jax.jit(kernel)(*tuple(_d.values())))

</pallas_src>

<mosaic_0001>
#map = affine_map<(d0, d1) -> (0, 0)>
#map1 = affine_map<(d0, d1) -> (0, 0, 0)>
module attributes {stable_mosaic.version = 14 : i64} {
  func.func @body(%arg0: i32, %arg1: i32, %arg2: memref<6400x128xi32, #tpu.memory_space<hbm>>, %arg3: memref<2000002x64xf32, #tpu.memory_space<hbm>>, %arg4: memref<6400x128x128xf32, #tpu.memory_space<hbm>>, %arg5: memref<200x128xi32, #tpu.memory_space<vmem>>, %arg6: memref<10x1x128x64xf32, #tpu.memory_space<vmem>>, %arg7: memref<!tpu.dma_semaphore, #tpu.memory_space<semaphore_mem>>, %arg8: memref<!tpu.dma_semaphore, #tpu.memory_space<semaphore_mem>>, %arg9: memref<!tpu.dma_semaphore, #tpu.memory_space<semaphore_mem>>, %arg10: memref<!tpu.dma_semaphore, #tpu.memory_space<semaphore_mem>>, %arg11: memref<!tpu.dma_semaphore, #tpu.memory_space<semaphore_mem>>, %arg12: memref<!tpu.dma_semaphore, #tpu.memory_space<semaphore_mem>>, %arg13: memref<!tpu.dma_semaphore, #tpu.memory_space<semaphore_mem>>, %arg14: memref<!tpu.dma_semaphore, #tpu.memory_space<semaphore_mem>>, %arg15: memref<!tpu.dma_semaphore, #tpu.memory_space<semaphore_mem>>, %arg16: memref<!tpu.dma_semaphore, #tpu.memory_space<semaphore_mem>>, %arg17: memref<!tpu.dma_semaphore, #tpu.memory_space<semaphore_mem>>, %arg18: memref<!tpu.dma_semaphore, #tpu.memory_space<semaphore_mem>>, %arg19: memref<!tpu.dma_semaphore, #tpu.memory_space<semaphore_mem>>, %arg20: memref<!tpu.dma_semaphore, #tpu.memory_space<semaphore_mem>>, %arg21: memref<!tpu.dma_semaphore, #tpu.memory_space<semaphore_mem>>, %arg22: memref<!tpu.dma_semaphore, #tpu.memory_space<semaphore_mem>>, %arg23: memref<!tpu.dma_semaphore, #tpu.memory_space<semaphore_mem>>, %arg24: memref<!tpu.dma_semaphore, #tpu.memory_space<semaphore_mem>>, %arg25: memref<!tpu.dma_semaphore, #tpu.memory_space<semaphore_mem>>, %arg26: memref<!tpu.dma_semaphore, #tpu.memory_space<semaphore_mem>>) attributes {dimension_semantics = [#tpu.dimension_semantics<core_parallel>, #tpu.dimension_semantics<subcore_parallel>], iteration_bounds = array<i64: 2, 16>, scalar_prefetch = 0 : i64, scratch_operands = 22 : i64, tpu.core_type = #tpu.core_type<sc_vector_subcore>, window_params = [{transform_indices = #map}, {transform_indices = #map}, {transform_indices = #map1}]} {
    %mul3A = arith.constant 2 : i32
    %mul3A_0 = arith.muli %arg1, %mul3A : i32
    %add3A = arith.addi %mul3A_0, %arg0 : i32
    %mul3A_1 = arith.constant 200 : i32
    %mul3A_2 = arith.muli %add3A, %mul3A_1 : i32
    "tpu.region"() ({
      %run_scoped3A = tpu.sem_alloc : memref<!tpu.dma_semaphore, #tpu.memory_space<semaphore_mem>>
      %dma_start3A_424 = arith.constant 0 : i32
      %dma_start3A_425 = tpu.memref_slice %arg2[%mul3A_2, %dma_start3A_424] : memref<6400x128xi32, #tpu.memory_space<hbm>> -> memref<200x128xi32, #tpu.memory_space<hbm>>
      %dma_start3A_426 = arith.constant 0 : i32
      %dma_start3A_427 = tpu.memref_slice %arg2[%mul3A_2, %dma_start3A_426] : memref<6400x128xi32, #tpu.memory_space<hbm>> -> memref<200x128xi32, #tpu.memory_space<hbm>>
      tpu.enqueue_dma source(%dma_start3A_427 : memref<200x128xi32, #tpu.memory_space<hbm>>) target(%arg5 : memref<200x128xi32, #tpu.memory_space<vmem>>) target_semaphore(%run_scoped3A : memref<!tpu.dma_semaphore, #tpu.memory_space<semaphore_mem>>)
      %dma_wait3A_428 = arith.constant 0 : i32
      %dma_wait3A_429 = tpu.memref_slice %arg2[%mul3A_2, %dma_wait3A_428] : memref<6400x128xi32, #tpu.memory_space<hbm>> -> memref<200x128xi32, #tpu.memory_space<hbm>>
      %dma_wait3A_430 = arith.constant 0 : i32
      %dma_wait3A_431 = tpu.memref_slice %arg2[%mul3A_2, %dma_wait3A_430] : memref<6400x128xi32, #tpu.memory_space<hbm>> -> memref<200x128xi32, #tpu.memory_space<hbm>>
      tpu.wait_dma2 semaphore(%run_scoped3A : memref<!tpu.dma_semaphore, #tpu.memory_space<semaphore_mem>>) src(%dma_wait3A_431 : memref<200x128xi32, #tpu.memory_space<hbm>>) dst(%arg5 : memref<200x128xi32, #tpu.memory_space<vmem>>)
      tpu.yield
    }) : () -> ()
    %dma_start3A = arith.constant 0 : i32
    %dma_start3A_3 = arith.constant 0 : i32
    %dma_start3A_4 = arith.constant 0 : i32
    %dma_start3A_5 = arith.constant 0 : i32
    %dma_start3A_6 = arith.constant 0 : i32
    %dma_start3A_7 = tpu.memref_slice %arg6[%dma_start3A_3, %dma_start3A_4, %dma_start3A_5, %dma_start3A_6] : memref<10x1x128x64xf32, #tpu.memory_space<vmem>> -> memref<1x1x128x64xf32, #tpu.memory_space<vmem>>
    %dma_start3A_8 = tpu.memref_squeeze %dma_start3A_7 : memref<1x1x128x64xf32, #tpu.memory_space<vmem>> -> memref<128x64xf32, #tpu.memory_space<vmem>>
    %dma_start3A_9 = arith.constant 0 : i32
    %dma_start3A_10 = tpu.memref_slice %arg5[%dma_start3A, %dma_start3A_9] : memref<200x128xi32, #tpu.memory_space<vmem>> -> memref<1x128xi32, #tpu.memory_space<vmem>>
    %dma_start3A_11 = tpu.memref_squeeze %dma_start3A_10 : memref<1x128xi32, #tpu.memory_space<vmem>> -> memref<128xi32, #tpu.memory_space<vmem>>
    %dma_start3A_12 = arith.constant 0 : i32
    %dma_start3A_13 = arith.constant 0 : i32
    %dma_start3A_14 = tpu.memref_slice %arg3[%dma_start3A_12, %dma_start3A_13] : memref<2000002x64xf32, #tpu.memory_space<hbm>> -> memref<2000002x64xf32, #tpu.memory_space<hbm>>
    tpu.enqueue_indirect_dma source(%dma_start3A_14 : memref<2000002x64xf32, #tpu.memory_space<hbm>>) target(%dma_start3A_8 : memref<128x64xf32, #tpu.memory_space<vmem>>) offsets(%dma_start3A_11 : memref<128xi32, #tpu.memory_space<vmem>>) semaphore(%arg7 : memref<!tpu.dma_semaphore, #tpu.memory_space<semaphore_mem>>)
    %dma_start3A_15 = arith.constant 1 : i32
    %dma_start3A_16 = arith.constant 1 : i32
    %dma_start3A_17 = arith.constant 0 : i32
    %dma_start3A_18 = arith.constant 0 : i32
    %dma_start3A_19 = arith.constant 0 : i32
    %dma_start3A_20 = tpu.memref_slice %arg6[%dma_start3A_16, %dma_start3A_17, %dma_start3A_18, %dma_start3A_19] : memref<10x1x128x64xf32, #tpu.memory_space<vmem>> -> memref<1x1x128x64xf32, #tpu.memory_space<vmem>>
    %dma_start3A_21 = tpu.memref_squeeze %dma_start3A_20 : memref<1x1x128x64xf32, #tpu.memory_space<vmem>> -> memref<128x64xf32, #tpu.memory_space<vmem>>
    %dma_start3A_22 = arith.constant 0 : i32
    %dma_start3A_23 = tpu.memref_slice %arg5[%dma_start3A_15, %dma_start3A_22] : memref<200x128xi32, #tpu.memory_space<vmem>> -> memref<1x128xi32, #tpu.memory_space<vmem>>
    %dma_start3A_24 = tpu.memref_squeeze %dma_start3A_23 : memref<1x128xi32, #tpu.memory_space<vmem>> -> memref<128xi32, #tpu.memory_space<vmem>>
    %dma_start3A_25 = arith.constant 0 : i32
    %dma_start3A_26 = arith.constant 0 : i32
    %dma_start3A_27 = tpu.memref_slice %arg3[%dma_start3A_25, %dma_start3A_26] : memref<2000002x64xf32, #tpu.memory_space<hbm>> -> memref<2000002x64xf32, #tpu.memory_space<hbm>>
    tpu.enqueue_indirect_dma source(%dma_start3A_27 : memref<2000002x64xf32, #tpu.memory_space<hbm>>) target(%dma_start3A_21 : memref<128x64xf32, #tpu.memory_space<vmem>>) offsets(%dma_start3A_24 : memref<128xi32, #tpu.memory_space<vmem>>) semaphore(%arg8 : memref<!tpu.dma_semaphore, #tpu.memory_space<semaphore_mem>>)
    %dma_wait3A = arith.constant 0 : i32
    %dma_wait3A_28 = arith.constant 0 : i32
    %dma_wait3A_29 = arith.constant 0 : i32
    %dma_wait3A_30 = arith.constant 0 : i32
    %dma_wait3A_31 = arith.constant 0 : i32
    %dma_wait3A_32 = tpu.memref_slice %arg6[%dma_wait3A_28, %dma_wait3A_29, %dma_wait3A_30, %dma_wait3A_31] : memref<10x1x128x64xf32, #tpu.memory_space<vmem>> -> memref<1x1x128x64xf32, #tpu.memory_space<vmem>>
    %dma_wait3A_33 = tpu.memref_squeeze %dma_wait3A_32 : memref<1x1x128x64xf32, #tpu.memory_space<vmem>> -> memref<128x64xf32, #tpu.memory_space<vmem>>
    %dma_wait3A_34 = arith.constant 0 : i32
    %dma_wait3A_35 = tpu.memref_slice %arg5[%dma_wait3A, %dma_wait3A_34] : memref<200x128xi32, #tpu.memory_space<vmem>> -> memref<1x128xi32, #tpu.memory_space<vmem>>
    %dma_wait3A_36 = tpu.memref_squeeze %dma_wait3A_35 : memref<1x128xi32, #tpu.memory_space<vmem>> -> memref<128xi32, #tpu.memory_space<vmem>>
    %dma_wait3A_37 = arith.constant 0 : i32
    %dma_wait3A_38 = arith.constant 0 : i32
    %dma_wait3A_39 = tpu.memref_slice %arg3[%dma_wait3A_37, %dma_wait3A_38] : memref<2000002x64xf32, #tpu.memory_space<hbm>> -> memref<2000002x64xf32, #tpu.memory_space<hbm>>
    tpu.wait_indirect_dma semaphore(%arg7 : memref<!tpu.dma_semaphore, #tpu.memory_space<semaphore_mem>>) src(%dma_wait3A_39 : memref<2000002x64xf32, #tpu.memory_space<hbm>>) dst(%dma_wait3A_33 : memref<128x64xf32, #tpu.memory_space<vmem>>)
    %add3A_40 = arith.constant 0 : i32
    %add3A_41 = arith.addi %mul3A_2, %add3A_40 : i32
    %dma_start3A_42 = arith.constant 0 : i32
    %dma_start3A_43 = arith.constant 0 : i32
    %dma_start3A_44 = arith.constant 0 : i32
    %dma_start3A_45 = arith.constant 0 : i32
    %dma_start3A_46 = tpu.memref_slice %arg6[%dma_start3A_42, %dma_start3A_43, %dma_start3A_44, %dma_start3A_45] : memref<10x1x128x64xf32, #tpu.memory_space<vmem>> -> memref<1x1x128x64xf32, #tpu.memory_space<vmem>>
    %dma_start3A_47 = tpu.memref_squeeze %dma_start3A_46 : memref<1x1x128x64xf32, #tpu.memory_space<vmem>> -> memref<1x128x64xf32, #tpu.memory_space<vmem>>
    %dma_start3A_48 = arith.constant 0 : i32
    %dma_start3A_49 = arith.constant 0 : i32
    %dma_start3A_50 = tpu.memref_slice %arg4[%add3A_41, %dma_start3A_48, %dma_start3A_49] : memref<6400x128x128xf32, #tpu.memory_space<hbm>> -> memref<1x128x64xf32, #tpu.memory_space<hbm>>
    %dma_start3A_51 = arith.constant 0 : i32
    %dma_start3A_52 = arith.constant 0 : i32
    %dma_start3A_53 = tpu.memref_slice %arg4[%add3A_41, %dma_start3A_51, %dma_start3A_52] : memref<6400x128x128xf32, #tpu.memory_space<hbm>> -> memref<1x128x64xf32, #tpu.memory_space<hbm>>
    %dma_start3A_54 = arith.constant 0 : i32
    %dma_start3A_55 = arith.constant 0 : i32
    %dma_start3A_56 = arith.constant 0 : i32
    %dma_start3A_57 = tpu.memref_slice %arg6[%dma_start3A_42, %dma_start3A_54, %dma_start3A_55, %dma_start3A_56] : memref<10x1x128x64xf32, #tpu.memory_space<vmem>> -> memref<1x1x128x64xf32, #tpu.memory_space<vmem>>
    %dma_start3A_58 = tpu.memref_squeeze %dma_start3A_57 : memref<1x1x128x64xf32, #tpu.memory_space<vmem>> -> memref<1x128x64xf32, #tpu.memory_space<vmem>>
    tpu.enqueue_dma source(%dma_start3A_58 : memref<1x128x64xf32, #tpu.memory_space<vmem>>) target(%dma_start3A_53 : memref<1x128x64xf32, #tpu.memory_space<hbm>>) target_semaphore(%arg17 : memref<!tpu.dma_semaphore, #tpu.memory_space<semaphore_mem>>)
    %dma_start3A_59 = arith.constant 2 : i32
    %dma_start3A_60 = arith.constant 2 : i32
    %dma_start3A_61 = arith.constant 0 : i32
    %dma_start3A_62 = arith.constant 0 : i32
    %dma_start3A_63 = arith.constant 0 : i32
    %dma_start3A_64 = tpu.memref_slice %arg6[%dma_start3A_60, %dma_start3A_61, %dma_start3A_62, %dma_start3A_63] : memref<10x1x128x64xf32, #tpu.memory_space<vmem>> -> memref<1x1x128x64xf32, #tpu.memory_space<vmem>>
    %dma_start3A_65 = tpu.memref_squeeze %dma_start3A_64 : memref<1x1x128x64xf32, #tpu.memory_space<vmem>> -> memref<128x64xf32, #tpu.memory_space<vmem>>
    %dma_start3A_66 = arith.constant 0 : i32
    %dma_start3A_67 = tpu.memref_slice %arg5[%dma_start3A_59, %dma_start3A_66] : memref<200x128xi32, #tpu.memory_space<vmem>> -> memref<1x128xi32, #tpu.memory_space<vmem>>
    %dma_start3A_68 = tpu.memref_squeeze %dma_start3A_67 : memref<1x128xi32, #tpu.memory_space<vmem>> -> memref<128xi32, #tpu.memory_space<vmem>>
    %dma_start3A_69 = arith.constant 0 : i32
    %dma_start3A_70 = arith.constant 0 : i32
    %dma_start3A_71 = tpu.memref_slice %arg3[%dma_start3A_69, %dma_start3A_70] : memref<2000002x64xf32, #tpu.memory_space<hbm>> -> memref<2000002x64xf32, #tpu.memory_space<hbm>>
    tpu.enqueue_indirect_dma source(%dma_start3A_71 : memref<2000002x64xf32, #tpu.memory_space<hbm>>) target(%dma_start3A_65 : memref<128x64xf32, #tpu.memory_space<vmem>>) offsets(%dma_start3A_68 : memref<128xi32, #tpu.memory_space<vmem>>) semaphore(%arg9 : memref<!tpu.dma_semaphore, #tpu.memory_space<semaphore_mem>>)
    %dma_wait3A_72 = arith.constant 1 : i32
    %dma_wait3A_73 = arith.constant 1 : i32
    %dma_wait3A_74 = arith.constant 0 : i32
    %dma_wait3A_75 = arith.constant 0 : i32
    %dma_wait3A_76 = arith.constant 0 : i32
    %dma_wait3A_77 = tpu.memref_slice %arg6[%dma_wait3A_73, %dma_wait3A_74, %dma_wait3A_75, %dma_wait3A_76] : memref<10x1x128x64xf32, #tpu.memory_space<vmem>> -> memref<1x1x128x64xf32, #tpu.memory_space<vmem>>
    %dma_wait3A_78 = tpu.memref_squeeze %dma_wait3A_77 : memref<1x1x128x64xf32, #tpu.memory_space<vmem>> -> memref<128x64xf32, #tpu.memory_space<vmem>>
    %dma_wait3A_79 = arith.constant 0 : i32
    %dma_wait3A_80 = tpu.memref_slice %arg5[%dma_wait3A_72, %dma_wait3A_79] : memref<200x128xi32, #tpu.memory_space<vmem>> -> memref<1x128xi32, #tpu.memory_space<vmem>>
    %dma_wait3A_81 = tpu.memref_squeeze %dma_wait3A_80 : memref<1x128xi32, #tpu.memory_space<vmem>> -> memref<128xi32, #tpu.memory_space<vmem>>
    %dma_wait3A_82 = arith.constant 0 : i32
    %dma_wait3A_83 = arith.constant 0 : i32
    %dma_wait3A_84 = tpu.memref_slice %arg3[%dma_wait3A_82, %dma_wait3A_83] : memref<2000002x64xf32, #tpu.memory_space<hbm>> -> memref<2000002x64xf32, #tpu.memory_space<hbm>>
    tpu.wait_indirect_dma semaphore(%arg8 : memref<!tpu.dma_semaphore, #tpu.memory_space<semaphore_mem>>) src(%dma_wait3A_84 : memref<2000002x64xf32, #tpu.memory_space<hbm>>) dst(%dma_wait3A_78 : memref<128x64xf32, #tpu.memory_space<vmem>>)
    %add3A_85 = arith.constant 1 : i32
    %add3A_86 = arith.addi %mul3A_2, %add3A_85 : i32
    %dma_start3A_87 = arith.constant 1 : i32
    %dma_start3A_88 = arith.constant 0 : i32
    %dma_start3A_89 = arith.constant 0 : i32
    %dma_start3A_90 = arith.constant 0 : i32
    %dma_start3A_91 = tpu.memref_slice %arg6[%dma_start3A_87, %dma_start3A_88, %dma_start3A_89, %dma_start3A_90] : memref<10x1x128x64xf32, #tpu.memory_space<vmem>> -> memref<1x1x128x64xf32, #tpu.memory_space<vmem>>
    %dma_start3A_92 = tpu.memref_squeeze %dma_start3A_91 : memref<1x1x128x64xf32, #tpu.memory_space<vmem>> -> memref<1x128x64xf32, #tpu.memory_space<vmem>>
    %dma_start3A_93 = arith.constant 0 : i32
    %dma_start3A_94 = arith.constant 0 : i32
    %dma_start3A_95 = tpu.memref_slice %arg4[%add3A_86, %dma_start3A_93, %dma_start3A_94] : memref<6400x128x128xf32, #tpu.memory_space<hbm>> -> memref<1x128x64xf32, #tpu.memory_space<hbm>>
    %dma_start3A_96 = arith.constant 0 : i32
    %dma_start3A_97 = arith.constant 0 : i32
    %dma_start3A_98 = tpu.memref_slice %arg4[%add3A_86, %dma_start3A_96, %dma_start3A_97] : memref<6400x128x128xf32, #tpu.memory_space<hbm>> -> memref<1x128x64xf32, #tpu.memory_space<hbm>>
    %dma_start3A_99 = arith.constant 0 : i32
    %dma_start3A_100 = arith.constant 0 : i32
    %dma_start3A_101 = arith.constant 0 : i32
    %dma_start3A_102 = tpu.memref_slice %arg6[%dma_start3A_87, %dma_start3A_99, %dma_start3A_100, %dma_start3A_101] : memref<10x1x128x64xf32, #tpu.memory_space<vmem>> -> memref<1x1x128x64xf32, #tpu.memory_space<vmem>>
    %dma_start3A_103 = tpu.memref_squeeze %dma_start3A_102 : memref<1x1x128x64xf32, #tpu.memory_space<vmem>> -> memref<1x128x64xf32, #tpu.memory_space<vmem>>
    tpu.enqueue_dma source(%dma_start3A_103 : memref<1x128x64xf32, #tpu.memory_space<vmem>>) target(%dma_start3A_98 : memref<1x128x64xf32, #tpu.memory_space<hbm>>) target_semaphore(%arg18 : memref<!tpu.dma_semaphore, #tpu.memory_space<semaphore_mem>>)
    %dma_start3A_104 = arith.constant 3 : i32
    %dma_start3A_105 = arith.constant 3 : i32
    %dma_start3A_106 = arith.constant 0 : i32
    %dma_start3A_107 = arith.constant 0 : i32
    %dma_start3A_108 = arith.constant 0 : i32
    %dma_start3A_109 = tpu.memref_slice %arg6[%dma_start3A_105, %dma_start3A_106, %dma_start3A_107, %dma_start3A_108] : memref<10x1x128x64xf32, #tpu.memory_space<vmem>> -> memref<1x1x128x64xf32, #tpu.memory_space<vmem>>
    %dma_start3A_110 = tpu.memref_squeeze %dma_start3A_109 : memref<1x1x128x64xf32, #tpu.memory_space<vmem>> -> memref<128x64xf32, #tpu.memory_space<vmem>>
    %dma_start3A_111 = arith.constant 0 : i32
    %dma_start3A_112 = tpu.memref_slice %arg5[%dma_start3A_104, %dma_start3A_111] : memref<200x128xi32, #tpu.memory_space<vmem>> -> memref<1x128xi32, #tpu.memory_space<vmem>>
    %dma_start3A_113 = tpu.memref_squeeze %dma_start3A_112 : memref<1x128xi32, #tpu.memory_space<vmem>> -> memref<128xi32, #tpu.memory_space<vmem>>
    %dma_start3A_114 = arith.constant 0 : i32
    %dma_start3A_115 = arith.constant 0 : i32
    %dma_start3A_116 = tpu.memref_slice %arg3[%dma_start3A_114, %dma_start3A_115] : memref<2000002x64xf32, #tpu.memory_space<hbm>> -> memref<2000002x64xf32, #tpu.memory_space<hbm>>
    tpu.enqueue_indirect_dma source(%dma_start3A_116 : memref<2000002x64xf32, #tpu.memory_space<hbm>>) target(%dma_start3A_110 : memref<128x64xf32, #tpu.memory_space<vmem>>) offsets(%dma_start3A_113 : memref<128xi32, #tpu.memory_space<vmem>>) semaphore(%arg10 : memref<!tpu.dma_semaphore, #tpu.memory_space<semaphore_mem>>)
    %dma_wait3A_117 = arith.constant 2 : i32
    %dma_wait3A_118 = arith.constant 2 : i32
    %dma_wait3A_119 = arith.constant 0 : i32
    %dma_wait3A_120 = arith.constant 0 : i32
    %dma_wait3A_121 = arith.constant 0 : i32
    %dma_wait3A_122 = tpu.memref_slice %arg6[%dma_wait3A_118, %dma_wait3A_119, %dma_wait3A_120, %dma_wait3A_121] : memref<10x1x128x64xf32, #tpu.memory_space<vmem>> -> memref<1x1x128x64xf32, #tpu.memory_space<vmem>>
    %dma_wait3A_123 = tpu.memref_squeeze %dma_wait3A_122 : memref<1x1x128x64xf32, #tpu.memory_space<vmem>> -> memref<128x64xf32, #tpu.memory_space<vmem>>
    %dma_wait3A_124 = arith.constant 0 : i32
    %dma_wait3A_125 = tpu.memref_slice %arg5[%dma_wait3A_117, %dma_wait3A_124] : memref<200x128xi32, #tpu.memory_space<vmem>> -> memref<1x128xi32, #tpu.memory_space<vmem>>
    %dma_wait3A_126 = tpu.memref_squeeze %dma_wait3A_125 : memref<1x128xi32, #tpu.memory_space<vmem>> -> memref<128xi32, #tpu.memory_space<vmem>>
    %dma_wait3A_127 = arith.constant 0 : i32
    %dma_wait3A_128 = arith.constant 0 : i32
    %dma_wait3A_129 = tpu.memref_slice %arg3[%dma_wait3A_127, %dma_wait3A_128] : memref<2000002x64xf32, #tpu.memory_space<hbm>> -> memref<2000002x64xf32, #tpu.memory_space<hbm>>
    tpu.wait_indirect_dma semaphore(%arg9 : memref<!tpu.dma_semaphore, #tpu.memory_space<semaphore_mem>>) src(%dma_wait3A_129 : memref<2000002x64xf32, #tpu.memory_space<hbm>>) dst(%dma_wait3A_123 : memref<128x64xf32, #tpu.memory_space<vmem>>)
    %add3A_130 = arith.constant 2 : i32
    %add3A_131 = arith.addi %mul3A_2, %add3A_130 : i32
    %dma_start3A_132 = arith.constant 2 : i32
    %dma_start3A_133 = arith.constant 0 : i32
    %dma_start3A_134 = arith.constant 0 : i32
    %dma_start3A_135 = arith.constant 0 : i32
    %dma_start3A_136 = tpu.memref_slice %arg6[%dma_start3A_132, %dma_start3A_133, %dma_start3A_134, %dma_start3A_135] : memref<10x1x128x64xf32, #tpu.memory_space<vmem>> -> memref<1x1x128x64xf32, #tpu.memory_space<vmem>>
    %dma_start3A_137 = tpu.memref_squeeze %dma_start3A_136 : memref<1x1x128x64xf32, #tpu.memory_space<vmem>> -> memref<1x128x64xf32, #tpu.memory_space<vmem>>
    %dma_start3A_138 = arith.constant 0 : i32
    %dma_start3A_139 = arith.constant 0 : i32
    %dma_start3A_140 = tpu.memref_slice %arg4[%add3A_131, %dma_start3A_138, %dma_start3A_139] : memref<6400x128x128xf32, #tpu.memory_space<hbm>> -> memref<1x128x64xf32, #tpu.memory_space<hbm>>
    %dma_start3A_141 = arith.constant 0 : i32
    %dma_start3A_142 = arith.constant 0 : i32
    %dma_start3A_143 = tpu.memref_slice %arg4[%add3A_131, %dma_start3A_141, %dma_start3A_142] : memref<6400x128x128xf32, #tpu.memory_space<hbm>> -> memref<1x128x64xf32, #tpu.memory_space<hbm>>
    %dma_start3A_144 = arith.constant 0 : i32
    %dma_start3A_145 = arith.constant 0 : i32
    %dma_start3A_146 = arith.constant 0 : i32
    %dma_start3A_147 = tpu.memref_slice %arg6[%dma_start3A_132, %dma_start3A_144, %dma_start3A_145, %dma_start3A_146] : memref<10x1x128x64xf32, #tpu.memory_space<vmem>> -> memref<1x1x128x64xf32, #tpu.memory_space<vmem>>
    %dma_start3A_148 = tpu.memref_squeeze %dma_start3A_147 : memref<1x1x128x64xf32, #tpu.memory_space<vmem>> -> memref<1x128x64xf32, #tpu.memory_space<vmem>>
    tpu.enqueue_dma source(%dma_start3A_148 : memref<1x128x64xf32, #tpu.memory_space<vmem>>) target(%dma_start3A_143 : memref<1x128x64xf32, #tpu.memory_space<hbm>>) target_semaphore(%arg19 : memref<!tpu.dma_semaphore, #tpu.memory_space<semaphore_mem>>)
    %dma_start3A_149 = arith.constant 4 : i32
    %dma_start3A_150 = arith.constant 4 : i32
    %dma_start3A_151 = arith.constant 0 : i32
    %dma_start3A_152 = arith.constant 0 : i32
    %dma_start3A_153 = arith.constant 0 : i32
    %dma_start3A_154 = tpu.memref_slice %arg6[%dma_start3A_150, %dma_start3A_151, %dma_start3A_152, %dma_start3A_153] : memref<10x1x128x64xf32, #tpu.memory_space<vmem>> -> memref<1x1x128x64xf32, #tpu.memory_space<vmem>>
    %dma_start3A_155 = tpu.memref_squeeze %dma_start3A_154 : memref<1x1x128x64xf32, #tpu.memory_space<vmem>> -> memref<128x64xf32, #tpu.memory_space<vmem>>
    %dma_start3A_156 = arith.constant 0 : i32
    %dma_start3A_157 = tpu.memref_slice %arg5[%dma_start3A_149, %dma_start3A_156] : memref<200x128xi32, #tpu.memory_space<vmem>> -> memref<1x128xi32, #tpu.memory_space<vmem>>
    %dma_start3A_158 = tpu.memref_squeeze %dma_start3A_157 : memref<1x128xi32, #tpu.memory_space<vmem>> -> memref<128xi32, #tpu.memory_space<vmem>>
    %dma_start3A_159 = arith.constant 0 : i32
    %dma_start3A_160 = arith.constant 0 : i32
    %dma_start3A_161 = tpu.memref_slice %arg3[%dma_start3A_159, %dma_start3A_160] : memref<2000002x64xf32, #tpu.memory_space<hbm>> -> memref<2000002x64xf32, #tpu.memory_space<hbm>>
    tpu.enqueue_indirect_dma source(%dma_start3A_161 : memref<2000002x64xf32, #tpu.memory_space<hbm>>) target(%dma_start3A_155 : memref<128x64xf32, #tpu.memory_space<vmem>>) offsets(%dma_start3A_158 : memref<128xi32, #tpu.memory_space<vmem>>) semaphore(%arg11 : memref<!tpu.dma_semaphore, #tpu.memory_space<semaphore_mem>>)
    %dma_wait3A_162 = arith.constant 3 : i32
    %dma_wait3A_163 = arith.constant 3 : i32
    %dma_wait3A_164 = arith.constant 0 : i32
    %dma_wait3A_165 = arith.constant 0 : i32
    %dma_wait3A_166 = arith.constant 0 : i32
    %dma_wait3A_167 = tpu.memref_slice %arg6[%dma_wait3A_163, %dma_wait3A_164, %dma_wait3A_165, %dma_wait3A_166] : memref<10x1x128x64xf32, #tpu.memory_space<vmem>> -> memref<1x1x128x64xf32, #tpu.memory_space<vmem>>
    %dma_wait3A_168 = tpu.memref_squeeze %dma_wait3A_167 : memref<1x1x128x64xf32, #tpu.memory_space<vmem>> -> memref<128x64xf32, #tpu.memory_space<vmem>>
    %dma_wait3A_169 = arith.constant 0 : i32
    %dma_wait3A_170 = tpu.memref_slice %arg5[%dma_wait3A_162, %dma_wait3A_169] : memref<200x128xi32, #tpu.memory_space<vmem>> -> memref<1x128xi32, #tpu.memory_space<vmem>>
    %dma_wait3A_171 = tpu.memref_squeeze %dma_wait3A_170 : memref<1x128xi32, #tpu.memory_space<vmem>> -> memref<128xi32, #tpu.memory_space<vmem>>
    %dma_wait3A_172 = arith.constant 0 : i32
    %dma_wait3A_173 = arith.constant 0 : i32
    %dma_wait3A_174 = tpu.memref_slice %arg3[%dma_wait3A_172, %dma_wait3A_173] : memref<2000002x64xf32, #tpu.memory_space<hbm>> -> memref<2000002x64xf32, #tpu.memory_space<hbm>>
    tpu.wait_indirect_dma semaphore(%arg10 : memref<!tpu.dma_semaphore, #tpu.memory_space<semaphore_mem>>) src(%dma_wait3A_174 : memref<2000002x64xf32, #tpu.memory_space<hbm>>) dst(%dma_wait3A_168 : memref<128x64xf32, #tpu.memory_space<vmem>>)
    %add3A_175 = arith.constant 3 : i32
    %add3A_176 = arith.addi %mul3A_2, %add3A_175 : i32
    %dma_start3A_177 = arith.constant 3 : i32
    %dma_start3A_178 = arith.constant 0 : i32
    %dma_start3A_179 = arith.constant 0 : i32
    %dma_start3A_180 = arith.constant 0 : i32
    %dma_start3A_181 = tpu.memref_slice %arg6[%dma_start3A_177, %dma_start3A_178, %dma_start3A_179, %dma_start3A_180] : memref<10x1x128x64xf32, #tpu.memory_space<vmem>> -> memref<1x1x128x64xf32, #tpu.memory_space<vmem>>
    %dma_start3A_182 = tpu.memref_squeeze %dma_start3A_181 : memref<1x1x128x64xf32, #tpu.memory_space<vmem>> -> memref<1x128x64xf32, #tpu.memory_space<vmem>>
    %dma_start3A_183 = arith.constant 0 : i32
    %dma_start3A_184 = arith.constant 0 : i32
    %dma_start3A_185 = tpu.memref_slice %arg4[%add3A_176, %dma_start3A_183, %dma_start3A_184] : memref<6400x128x128xf32, #tpu.memory_space<hbm>> -> memref<1x128x64xf32, #tpu.memory_space<hbm>>
    %dma_start3A_186 = arith.constant 0 : i32
    %dma_start3A_187 = arith.constant 0 : i32
    %dma_start3A_188 = tpu.memref_slice %arg4[%add3A_176, %dma_start3A_186, %dma_start3A_187] : memref<6400x128x128xf32, #tpu.memory_space<hbm>> -> memref<1x128x64xf32, #tpu.memory_space<hbm>>
    %dma_start3A_189 = arith.constant 0 : i32
    %dma_start3A_190 = arith.constant 0 : i32
    %dma_start3A_191 = arith.constant 0 : i32
    %dma_start3A_192 = tpu.memref_slice %arg6[%dma_start3A_177, %dma_start3A_189, %dma_start3A_190, %dma_start3A_191] : memref<10x1x128x64xf32, #tpu.memory_space<vmem>> -> memref<1x1x128x64xf32, #tpu.memory_space<vmem>>
    %dma_start3A_193 = tpu.memref_squeeze %dma_start3A_192 : memref<1x1x128x64xf32, #tpu.memory_space<vmem>> -> memref<1x128x64xf32, #tpu.memory_space<vmem>>
    tpu.enqueue_dma source(%dma_start3A_193 : memref<1x128x64xf32, #tpu.memory_space<vmem>>) target(%dma_start3A_188 : memref<1x128x64xf32, #tpu.memory_space<hbm>>) target_semaphore(%arg20 : memref<!tpu.dma_semaphore, #tpu.memory_space<semaphore_mem>>)
    %dma_start3A_194 = arith.constant 5 : i32
    %dma_start3A_195 = arith.constant 5 : i32
    %dma_start3A_196 = arith.constant 0 : i32
    %dma_start3A_197 = arith.constant 0 : i32
    %dma_start3A_198 = arith.constant 0 : i32
    %dma_start3A_199 = tpu.memref_slice %arg6[%dma_start3A_195, %dma_start3A_196, %dma_start3A_197, %dma_start3A_198] : memref<10x1x128x64xf32, #tpu.memory_space<vmem>> -> memref<1x1x128x64xf32, #tpu.memory_space<vmem>>
    %dma_start3A_200 = tpu.memref_squeeze %dma_start3A_199 : memref<1x1x128x64xf32, #tpu.memory_space<vmem>> -> memref<128x64xf32, #tpu.memory_space<vmem>>
    %dma_start3A_201 = arith.constant 0 : i32
    %dma_start3A_202 = tpu.memref_slice %arg5[%dma_start3A_194, %dma_start3A_201] : memref<200x128xi32, #tpu.memory_space<vmem>> -> memref<1x128xi32, #tpu.memory_space<vmem>>
    %dma_start3A_203 = tpu.memref_squeeze %dma_start3A_202 : memref<1x128xi32, #tpu.memory_space<vmem>> -> memref<128xi32, #tpu.memory_space<vmem>>
    %dma_start3A_204 = arith.constant 0 : i32
    %dma_start3A_205 = arith.constant 0 : i32
    %dma_start3A_206 = tpu.memref_slice %arg3[%dma_start3A_204, %dma_start3A_205] : memref<2000002x64xf32, #tpu.memory_space<hbm>> -> memref<2000002x64xf32, #tpu.memory_space<hbm>>
    tpu.enqueue_indirect_dma source(%dma_start3A_206 : memref<2000002x64xf32, #tpu.memory_space<hbm>>) target(%dma_start3A_200 : memref<128x64xf32, #tpu.memory_space<vmem>>) offsets(%dma_start3A_203 : memref<128xi32, #tpu.memory_space<vmem>>) semaphore(%arg12 : memref<!tpu.dma_semaphore, #tpu.memory_space<semaphore_mem>>)
    %dma_wait3A_207 = arith.constant 4 : i32
    %dma_wait3A_208 = arith.constant 4 : i32
    %dma_wait3A_209 = arith.constant 0 : i32
    %dma_wait3A_210 = arith.constant 0 : i32
    %dma_wait3A_211 = arith.constant 0 : i32
    %dma_wait3A_212 = tpu.memref_slice %arg6[%dma_wait3A_208, %dma_wait3A_209, %dma_wait3A_210, %dma_wait3A_211] : memref<10x1x128x64xf32, #tpu.memory_space<vmem>> -> memref<1x1x128x64xf32, #tpu.memory_space<vmem>>
    %dma_wait3A_213 = tpu.memref_squeeze %dma_wait3A_212 : memref<1x1x128x64xf32, #tpu.memory_space<vmem>> -> memref<128x64xf32, #tpu.memory_space<vmem>>
    %dma_wait3A_214 = arith.constant 0 : i32
    %dma_wait3A_215 = tpu.memref_slice %arg5[%dma_wait3A_207, %dma_wait3A_214] : memref<200x128xi32, #tpu.memory_space<vmem>> -> memref<1x128xi32, #tpu.memory_space<vmem>>
    %dma_wait3A_216 = tpu.memref_squeeze %dma_wait3A_215 : memref<1x128xi32, #tpu.memory_space<vmem>> -> memref<128xi32, #tpu.memory_space<vmem>>
    %dma_wait3A_217 = arith.constant 0 : i32
    %dma_wait3A_218 = arith.constant 0 : i32
    %dma_wait3A_219 = tpu.memref_slice %arg3[%dma_wait3A_217, %dma_wait3A_218] : memref<2000002x64xf32, #tpu.memory_space<hbm>> -> memref<2000002x64xf32, #tpu.memory_space<hbm>>
    tpu.wait_indirect_dma semaphore(%arg11 : memref<!tpu.dma_semaphore, #tpu.memory_space<semaphore_mem>>) src(%dma_wait3A_219 : memref<2000002x64xf32, #tpu.memory_space<hbm>>) dst(%dma_wait3A_213 : memref<128x64xf32, #tpu.memory_space<vmem>>)
    %add3A_220 = arith.constant 4 : i32
    %add3A_221 = arith.addi %mul3A_2, %add3A_220 : i32
    %dma_start3A_222 = arith.constant 4 : i32
    %dma_start3A_223 = arith.constant 0 : i32
    %dma_start3A_224 = arith.constant 0 : i32
    %dma_start3A_225 = arith.constant 0 : i32
    %dma_start3A_226 = tpu.memref_slice %arg6[%dma_start3A_222, %dma_start3A_223, %dma_start3A_224, %dma_start3A_225] : memref<10x1x128x64xf32, #tpu.memory_space<vmem>> -> memref<1x1x128x64xf32, #tpu.memory_space<vmem>>
    %dma_start3A_227 = tpu.memref_squeeze %dma_start3A_226 : memref<1x1x128x64xf32, #tpu.memory_space<vmem>> -> memref<1x128x64xf32, #tpu.memory_space<vmem>>
    %dma_start3A_228 = arith.constant 0 : i32
    %dma_start3A_229 = arith.constant 0 : i32
    %dma_start3A_230 = tpu.memref_slice %arg4[%add3A_221, %dma_start3A_228, %dma_start3A_229] : memref<6400x128x128xf32, #tpu.memory_space<hbm>> -> memref<1x128x64xf32, #tpu.memory_space<hbm>>
    %dma_start3A_231 = arith.constant 0 : i32
    %dma_start3A_232 = arith.constant 0 : i32
    %dma_start3A_233 = tpu.memref_slice %arg4[%add3A_221, %dma_start3A_231, %dma_start3A_232] : memref<6400x128x128xf32, #tpu.memory_space<hbm>> -> memref<1x128x64xf32, #tpu.memory_space<hbm>>
    %dma_start3A_234 = arith.constant 0 : i32
    %dma_start3A_235 = arith.constant 0 : i32
    %dma_start3A_236 = arith.constant 0 : i32
    %dma_start3A_237 = tpu.memref_slice %arg6[%dma_start3A_222, %dma_start3A_234, %dma_start3A_235, %dma_start3A_236] : memref<10x1x128x64xf32, #tpu.memory_space<vmem>> -> memref<1x1x128x64xf32, #tpu.memory_space<vmem>>
    %dma_start3A_238 = tpu.memref_squeeze %dma_start3A_237 : memref<1x1x128x64xf32, #tpu.memory_space<vmem>> -> memref<1x128x64xf32, #tpu.memory_space<vmem>>
    tpu.enqueue_dma source(%dma_start3A_238 : memref<1x128x64xf32, #tpu.memory_space<vmem>>) target(%dma_start3A_233 : memref<1x128x64xf32, #tpu.memory_space<hbm>>) target_semaphore(%arg21 : memref<!tpu.dma_semaphore, #tpu.memory_space<semaphore_mem>>)
    %dma_start3A_239 = arith.constant 6 : i32
    %dma_start3A_240 = arith.constant 6 : i32
    %dma_start3A_241 = arith.constant 0 : i32
    %dma_start3A_242 = arith.constant 0 : i32
    %dma_start3A_243 = arith.constant 0 : i32
    %dma_start3A_244 = tpu.memref_slice %arg6[%dma_start3A_240, %dma_start3A_241, %dma_start3A_242, %dma_start3A_243] : memref<10x1x128x64xf32, #tpu.memory_space<vmem>> -> memref<1x1x128x64xf32, #tpu.memory_space<vmem>>
    %dma_start3A_245 = tpu.memref_squeeze %dma_start3A_244 : memref<1x1x128x64xf32, #tpu.memory_space<vmem>> -> memref<128x64xf32, #tpu.memory_space<vmem>>
    %dma_start3A_246 = arith.constant 0 : i32
    %dma_start3A_247 = tpu.memref_slice %arg5[%dma_start3A_239, %dma_start3A_246] : memref<200x128xi32, #tpu.memory_space<vmem>> -> memref<1x128xi32, #tpu.memory_space<vmem>>
    %dma_start3A_248 = tpu.memref_squeeze %dma_start3A_247 : memref<1x128xi32, #tpu.memory_space<vmem>> -> memref<128xi32, #tpu.memory_space<vmem>>
    %dma_start3A_249 = arith.constant 0 : i32
    %dma_start3A_250 = arith.constant 0 : i32
    %dma_start3A_251 = tpu.memref_slice %arg3[%dma_start3A_249, %dma_start3A_250] : memref<2000002x64xf32, #tpu.memory_space<hbm>> -> memref<2000002x64xf32, #tpu.memory_space<hbm>>
    tpu.enqueue_indirect_dma source(%dma_start3A_251 : memref<2000002x64xf32, #tpu.memory_space<hbm>>) target(%dma_start3A_245 : memref<128x64xf32, #tpu.memory_space<vmem>>) offsets(%dma_start3A_248 : memref<128xi32, #tpu.memory_space<vmem>>) semaphore(%arg13 : memref<!tpu.dma_semaphore, #tpu.memory_space<semaphore_mem>>)
    %dma_wait3A_252 = arith.constant 5 : i32
    %dma_wait3A_253 = arith.constant 5 : i32
    %dma_wait3A_254 = arith.constant 0 : i32
    %dma_wait3A_255 = arith.constant 0 : i32
    %dma_wait3A_256 = arith.constant 0 : i32
    %dma_wait3A_257 = tpu.memref_slice %arg6[%dma_wait3A_253, %dma_wait3A_254, %dma_wait3A_255, %dma_wait3A_256] : memref<10x1x128x64xf32, #tpu.memory_space<vmem>> -> memref<1x1x128x64xf32, #tpu.memory_space<vmem>>
    %dma_wait3A_258 = tpu.memref_squeeze %dma_wait3A_257 : memref<1x1x128x64xf32, #tpu.memory_space<vmem>> -> memref<128x64xf32, #tpu.memory_space<vmem>>
    %dma_wait3A_259 = arith.constant 0 : i32
    %dma_wait3A_260 = tpu.memref_slice %arg5[%dma_wait3A_252, %dma_wait3A_259] : memref<200x128xi32, #tpu.memory_space<vmem>> -> memref<1x128xi32, #tpu.memory_space<vmem>>
    %dma_wait3A_261 = tpu.memref_squeeze %dma_wait3A_260 : memref<1x128xi32, #tpu.memory_space<vmem>> -> memref<128xi32, #tpu.memory_space<vmem>>
    %dma_wait3A_262 = arith.constant 0 : i32
    %dma_wait3A_263 = arith.constant 0 : i32
    %dma_wait3A_264 = tpu.memref_slice %arg3[%dma_wait3A_262, %dma_wait3A_263] : memref<2000002x64xf32, #tpu.memory_space<hbm>> -> memref<2000002x64xf32, #tpu.memory_space<hbm>>
    tpu.wait_indirect_dma semaphore(%arg12 : memref<!tpu.dma_semaphore, #tpu.memory_space<semaphore_mem>>) src(%dma_wait3A_264 : memref<2000002x64xf32, #tpu.memory_space<hbm>>) dst(%dma_wait3A_258 : memref<128x64xf32, #tpu.memory_space<vmem>>)
    %add3A_265 = arith.constant 5 : i32
    %add3A_266 = arith.addi %mul3A_2, %add3A_265 : i32
    %dma_start3A_267 = arith.constant 5 : i32
    %dma_start3A_268 = arith.constant 0 : i32
    %dma_start3A_269 = arith.constant 0 : i32
    %dma_start3A_270 = arith.constant 0 : i32
    %dma_start3A_271 = tpu.memref_slice %arg6[%dma_start3A_267, %dma_start3A_268, %dma_start3A_269, %dma_start3A_270] : memref<10x1x128x64xf32, #tpu.memory_space<vmem>> -> memref<1x1x128x64xf32, #tpu.memory_space<vmem>>
    %dma_start3A_272 = tpu.memref_squeeze %dma_start3A_271 : memref<1x1x128x64xf32, #tpu.memory_space<vmem>> -> memref<1x128x64xf32, #tpu.memory_space<vmem>>
    %dma_start3A_273 = arith.constant 0 : i32
    %dma_start3A_274 = arith.constant 0 : i32
    %dma_start3A_275 = tpu.memref_slice %arg4[%add3A_266, %dma_start3A_273, %dma_start3A_274] : memref<6400x128x128xf32, #tpu.memory_space<hbm>> -> memref<1x128x64xf32, #tpu.memory_space<hbm>>
    %dma_start3A_276 = arith.constant 0 : i32
    %dma_start3A_277 = arith.constant 0 : i32
    %dma_start3A_278 = tpu.memref_slice %arg4[%add3A_266, %dma_start3A_276, %dma_start3A_277] : memref<6400x128x128xf32, #tpu.memory_space<hbm>> -> memref<1x128x64xf32, #tpu.memory_space<hbm>>
    %dma_start3A_279 = arith.constant 0 : i32
    %dma_start3A_280 = arith.constant 0 : i32
    %dma_start3A_281 = arith.constant 0 : i32
    %dma_start3A_282 = tpu.memref_slice %arg6[%dma_start3A_267, %dma_start3A_279, %dma_start3A_280, %dma_start3A_281] : memref<10x1x128x64xf32, #tpu.memory_space<vmem>> -> memref<1x1x128x64xf32, #tpu.memory_space<vmem>>
    %dma_start3A_283 = tpu.memref_squeeze %dma_start3A_282 : memref<1x1x128x64xf32, #tpu.memory_space<vmem>> -> memref<1x128x64xf32, #tpu.memory_space<vmem>>
    tpu.enqueue_dma source(%dma_start3A_283 : memref<1x128x64xf32, #tpu.memory_space<vmem>>) target(%dma_start3A_278 : memref<1x128x64xf32, #tpu.memory_space<hbm>>) target_semaphore(%arg22 : memref<!tpu.dma_semaphore, #tpu.memory_space<semaphore_mem>>)
    %dma_start3A_284 = arith.constant 7 : i32
    %dma_start3A_285 = arith.constant 7 : i32
    %dma_start3A_286 = arith.constant 0 : i32
    %dma_start3A_287 = arith.constant 0 : i32
    %dma_start3A_288 = arith.constant 0 : i32
    %dma_start3A_289 = tpu.memref_slice %arg6[%dma_start3A_285, %dma_start3A_286, %dma_start3A_287, %dma_start3A_288] : memref<10x1x128x64xf32, #tpu.memory_space<vmem>> -> memref<1x1x128x64xf32, #tpu.memory_space<vmem>>
    %dma_start3A_290 = tpu.memref_squeeze %dma_start3A_289 : memref<1x1x128x64xf32, #tpu.memory_space<vmem>> -> memref<128x64xf32, #tpu.memory_space<vmem>>
    %dma_start3A_291 = arith.constant 0 : i32
    %dma_start3A_292 = tpu.memref_slice %arg5[%dma_start3A_284, %dma_start3A_291] : memref<200x128xi32, #tpu.memory_space<vmem>> -> memref<1x128xi32, #tpu.memory_space<vmem>>
    %dma_start3A_293 = tpu.memref_squeeze %dma_start3A_292 : memref<1x128xi32, #tpu.memory_space<vmem>> -> memref<128xi32, #tpu.memory_space<vmem>>
    %dma_start3A_294 = arith.constant 0 : i32
    %dma_start3A_295 = arith.constant 0 : i32
    %dma_start3A_296 = tpu.memref_slice %arg3[%dma_start3A_294, %dma_start3A_295] : memref<2000002x64xf32, #tpu.memory_space<hbm>> -> memref<2000002x64xf32, #tpu.memory_space<hbm>>
    tpu.enqueue_indirect_dma source(%dma_start3A_296 : memref<2000002x64xf32, #tpu.memory_space<hbm>>) target(%dma_start3A_290 : memref<128x64xf32, #tpu.memory_space<vmem>>) offsets(%dma_start3A_293 : memref<128xi32, #tpu.memory_space<vmem>>) semaphore(%arg14 : memref<!tpu.dma_semaphore, #tpu.memory_space<semaphore_mem>>)
    %dma_wait3A_297 = arith.constant 6 : i32
    %dma_wait3A_298 = arith.constant 6 : i32
    %dma_wait3A_299 = arith.constant 0 : i32
    %dma_wait3A_300 = arith.constant 0 : i32
    %dma_wait3A_301 = arith.constant 0 : i32
    %dma_wait3A_302 = tpu.memref_slice %arg6[%dma_wait3A_298, %dma_wait3A_299, %dma_wait3A_300, %dma_wait3A_301] : memref<10x1x128x64xf32, #tpu.memory_space<vmem>> -> memref<1x1x128x64xf32, #tpu.memory_space<vmem>>
    %dma_wait3A_303 = tpu.memref_squeeze %dma_wait3A_302 : memref<1x1x128x64xf32, #tpu.memory_space<vmem>> -> memref<128x64xf32, #tpu.memory_space<vmem>>
    %dma_wait3A_304 = arith.constant 0 : i32
    %dma_wait3A_305 = tpu.memref_slice %arg5[%dma_wait3A_297, %dma_wait3A_304] : memref<200x128xi32, #tpu.memory_space<vmem>> -> memref<1x128xi32, #tpu.memory_space<vmem>>
    %dma_wait3A_306 = tpu.memref_squeeze %dma_wait3A_305 : memref<1x128xi32, #tpu.memory_space<vmem>> -> memref<128xi32, #tpu.memory_space<vmem>>
    %dma_wait3A_307 = arith.constant 0 : i32
    %dma_wait3A_308 = arith.constant 0 : i32
    %dma_wait3A_309 = tpu.memref_slice %arg3[%dma_wait3A_307, %dma_wait3A_308] : memref<2000002x64xf32, #tpu.memory_space<hbm>> -> memref<2000002x64xf32, #tpu.memory_space<hbm>>
    tpu.wait_indirect_dma semaphore(%arg13 : memref<!tpu.dma_semaphore, #tpu.memory_space<semaphore_mem>>) src(%dma_wait3A_309 : memref<2000002x64xf32, #tpu.memory_space<hbm>>) dst(%dma_wait3A_303 : memref<128x64xf32, #tpu.memory_space<vmem>>)
    %add3A_310 = arith.constant 6 : i32
    %add3A_311 = arith.addi %mul3A_2, %add3A_310 : i32
    %dma_start3A_312 = arith.constant 6 : i32
    %dma_start3A_313 = arith.constant 0 : i32
    %dma_start3A_314 = arith.constant 0 : i32
    %dma_start3A_315 = arith.constant 0 : i32
    %dma_start3A_316 = tpu.memref_slice %arg6[%dma_start3A_312, %dma_start3A_313, %dma_start3A_314, %dma_start3A_315] : memref<10x1x128x64xf32, #tpu.memory_space<vmem>> -> memref<1x1x128x64xf32, #tpu.memory_space<vmem>>
    %dma_start3A_317 = tpu.memref_squeeze %dma_start3A_316 : memref<1x1x128x64xf32, #tpu.memory_space<vmem>> -> memref<1x128x64xf32, #tpu.memory_space<vmem>>
    %dma_start3A_318 = arith.constant 0 : i32
    %dma_start3A_319 = arith.constant 0 : i32
    %dma_start3A_320 = tpu.memref_slice %arg4[%add3A_311, %dma_start3A_318, %dma_start3A_319] : memref<6400x128x128xf32, #tpu.memory_space<hbm>> -> memref<1x128x64xf32, #tpu.memory_space<hbm>>
    %dma_start3A_321 = arith.constant 0 : i32
    %dma_start3A_322 = arith.constant 0 : i32
    %dma_start3A_323 = tpu.memref_slice %arg4[%add3A_311, %dma_start3A_321, %dma_start3A_322] : memref<6400x128x128xf32, #tpu.memory_space<hbm>> -> memref<1x128x64xf32, #tpu.memory_space<hbm>>
    %dma_start3A_324 = arith.constant 0 : i32
    %dma_start3A_325 = arith.constant 0 : i32
    %dma_start3A_326 = arith.constant 0 : i32
    %dma_start3A_327 = tpu.memref_slice %arg6[%dma_start3A_312, %dma_start3A_324, %dma_start3A_325, %dma_start3A_326] : memref<10x1x128x64xf32, #tpu.memory_space<vmem>> -> memref<1x1x128x64xf32, #tpu.memory_space<vmem>>
    %dma_start3A_328 = tpu.memref_squeeze %dma_start3A_327 : memref<1x1x128x64xf32, #tpu.memory_space<vmem>> -> memref<1x128x64xf32, #tpu.memory_space<vmem>>
    tpu.enqueue_dma source(%dma_start3A_328 : memref<1x128x64xf32, #tpu.memory_space<vmem>>) target(%dma_start3A_323 : memref<1x128x64xf32, #tpu.memory_space<hbm>>) target_semaphore(%arg23 : memref<!tpu.dma_semaphore, #tpu.memory_space<semaphore_mem>>)
    %dma_start3A_329 = arith.constant 8 : i32
    %dma_start3A_330 = arith.constant 8 : i32
    %dma_start3A_331 = arith.constant 0 : i32
    %dma_start3A_332 = arith.constant 0 : i32
    %dma_start3A_333 = arith.constant 0 : i32
    %dma_start3A_334 = tpu.memref_slice %arg6[%dma_start3A_330, %dma_start3A_331, %dma_start3A_332, %dma_start3A_333] : memref<10x1x128x64xf32, #tpu.memory_space<vmem>> -> memref<1x1x128x64xf32, #tpu.memory_space<vmem>>
    %dma_start3A_335 = tpu.memref_squeeze %dma_start3A_334 : memref<1x1x128x64xf32, #tpu.memory_space<vmem>> -> memref<128x64xf32, #tpu.memory_space<vmem>>
    %dma_start3A_336 = arith.constant 0 : i32
    %dma_start3A_337 = tpu.memref_slice %arg5[%dma_start3A_329, %dma_start3A_336] : memref<200x128xi32, #tpu.memory_space<vmem>> -> memref<1x128xi32, #tpu.memory_space<vmem>>
    %dma_start3A_338 = tpu.memref_squeeze %dma_start3A_337 : memref<1x128xi32, #tpu.memory_space<vmem>> -> memref<128xi32, #tpu.memory_space<vmem>>
    %dma_start3A_339 = arith.constant 0 : i32
    %dma_start3A_340 = arith.constant 0 : i32
    %dma_start3A_341 = tpu.memref_slice %arg3[%dma_start3A_339, %dma_start3A_340] : memref<2000002x64xf32, #tpu.memory_space<hbm>> -> memref<2000002x64xf32, #tpu.memory_space<hbm>>
    tpu.enqueue_indirect_dma source(%dma_start3A_341 : memref<2000002x64xf32, #tpu.memory_space<hbm>>) target(%dma_start3A_335 : memref<128x64xf32, #tpu.memory_space<vmem>>) offsets(%dma_start3A_338 : memref<128xi32, #tpu.memory_space<vmem>>) semaphore(%arg15 : memref<!tpu.dma_semaphore, #tpu.memory_space<semaphore_mem>>)
    %dma_wait3A_342 = arith.constant 7 : i32
    %dma_wait3A_343 = arith.constant 7 : i32
    %dma_wait3A_344 = arith.constant 0 : i32
    %dma_wait3A_345 = arith.constant 0 : i32
    %dma_wait3A_346 = arith.constant 0 : i32
    %dma_wait3A_347 = tpu.memref_slice %arg6[%dma_wait3A_343, %dma_wait3A_344, %dma_wait3A_345, %dma_wait3A_346] : memref<10x1x128x64xf32, #tpu.memory_space<vmem>> -> memref<1x1x128x64xf32, #tpu.memory_space<vmem>>
    %dma_wait3A_348 = tpu.memref_squeeze %dma_wait3A_347 : memref<1x1x128x64xf32, #tpu.memory_space<vmem>> -> memref<128x64xf32, #tpu.memory_space<vmem>>
    %dma_wait3A_349 = arith.constant 0 : i32
    %dma_wait3A_350 = tpu.memref_slice %arg5[%dma_wait3A_342, %dma_wait3A_349] : memref<200x128xi32, #tpu.memory_space<vmem>> -> memref<1x128xi32, #tpu.memory_space<vmem>>
    %dma_wait3A_351 = tpu.memref_squeeze %dma_wait3A_350 : memref<1x128xi32, #tpu.memory_space<vmem>> -> memref<128xi32, #tpu.memory_space<vmem>>
    %dma_wait3A_352 = arith.constant 0 : i32
    %dma_wait3A_353 = arith.constant 0 : i32
    %dma_wait3A_354 = tpu.memref_slice %arg3[%dma_wait3A_352, %dma_wait3A_353] : memref<2000002x64xf32, #tpu.memory_space<hbm>> -> memref<2000002x64xf32, #tpu.memory_space<hbm>>
    tpu.wait_indirect_dma semaphore(%arg14 : memref<!tpu.dma_semaphore, #tpu.memory_space<semaphore_mem>>) src(%dma_wait3A_354 : memref<2000002x64xf32, #tpu.memory_space<hbm>>) dst(%dma_wait3A_348 : memref<128x64xf32, #tpu.memory_space<vmem>>)
    %add3A_355 = arith.constant 7 : i32
    %add3A_356 = arith.addi %mul3A_2, %add3A_355 : i32
    %dma_start3A_357 = arith.constant 7 : i32
    %dma_start3A_358 = arith.constant 0 : i32
    %dma_start3A_359 = arith.constant 0 : i32
    %dma_start3A_360 = arith.constant 0 : i32
    %dma_start3A_361 = tpu.memref_slice %arg6[%dma_start3A_357, %dma_start3A_358, %dma_start3A_359, %dma_start3A_360] : memref<10x1x128x64xf32, #tpu.memory_space<vmem>> -> memref<1x1x128x64xf32, #tpu.memory_space<vmem>>
    %dma_start3A_362 = tpu.memref_squeeze %dma_start3A_361 : memref<1x1x128x64xf32, #tpu.memory_space<vmem>> -> memref<1x128x64xf32, #tpu.memory_space<vmem>>
    %dma_start3A_363 = arith.constant 0 : i32
    %dma_start3A_364 = arith.constant 0 : i32
    %dma_start3A_365 = tpu.memref_slice %arg4[%add3A_356, %dma_start3A_363, %dma_start3A_364] : memref<6400x128x128xf32, #tpu.memory_space<hbm>> -> memref<1x128x64xf32, #tpu.memory_space<hbm>>
    %dma_start3A_366 = arith.constant 0 : i32
    %dma_start3A_367 = arith.constant 0 : i32
    %dma_start3A_368 = tpu.memref_slice %arg4[%add3A_356, %dma_start3A_366, %dma_start3A_367] : memref<6400x128x128xf32, #tpu.memory_space<hbm>> -> memref<1x128x64xf32, #tpu.memory_space<hbm>>
    %dma_start3A_369 = arith.constant 0 : i32
    %dma_start3A_370 = arith.constant 0 : i32
    %dma_start3A_371 = arith.constant 0 : i32
    %dma_start3A_372 = tpu.memref_slice %arg6[%dma_start3A_357, %dma_start3A_369, %dma_start3A_370, %dma_start3A_371] : memref<10x1x128x64xf32, #tpu.memory_space<vmem>> -> memref<1x1x128x64xf32, #tpu.memory_space<vmem>>
    %dma_start3A_373 = tpu.memref_squeeze %dma_start3A_372 : memref<1x1x128x64xf32, #tpu.memory_space<vmem>> -> memref<1x128x64xf32, #tpu.memory_space<vmem>>
    tpu.enqueue_dma source(%dma_start3A_373 : memref<1x128x64xf32, #tpu.memory_space<vmem>>) target(%dma_start3A_368 : memref<1x128x64xf32, #tpu.memory_space<hbm>>) target_semaphore(%arg24 : memref<!tpu.dma_semaphore, #tpu.memory_space<semaphore_mem>>)
    %dma_start3A_374 = arith.constant 9 : i32
    %dma_start3A_375 = arith.constant 9 : i32
    %dma_start3A_376 = arith.constant 0 : i32
    %dma_start3A_377 = arith.constant 0 : i32
    %dma_start3A_378 = arith.constant 0 : i32
    %dma_start3A_379 = tpu.memref_slice %arg6[%dma_start3A_375, %dma_start3A_376, %dma_start3A_377, %dma_start3A_378] : memref<10x1x128x64xf32, #tpu.memory_space<vmem>> -> memref<1x1x128x64xf32, #tpu.memory_space<vmem>>
    %dma_start3A_380 = tpu.memref_squeeze %dma_start3A_379 : memref<1x1x128x64xf32, #tpu.memory_space<vmem>> -> memref<128x64xf32, #tpu.memory_space<vmem>>
    %dma_start3A_381 = arith.constant 0 : i32
    %dma_start3A_382 = tpu.memref_slice %arg5[%dma_start3A_374, %dma_start3A_381] : memref<200x128xi32, #tpu.memory_space<vmem>> -> memref<1x128xi32, #tpu.memory_space<vmem>>
    %dma_start3A_383 = tpu.memref_squeeze %dma_start3A_382 : memref<1x128xi32, #tpu.memory_space<vmem>> -> memref<128xi32, #tpu.memory_space<vmem>>
    %dma_start3A_384 = arith.constant 0 : i32
    %dma_start3A_385 = arith.constant 0 : i32
    %dma_start3A_386 = tpu.memref_slice %arg3[%dma_start3A_384, %dma_start3A_385] : memref<2000002x64xf32, #tpu.memory_space<hbm>> -> memref<2000002x64xf32, #tpu.memory_space<hbm>>
    tpu.enqueue_indirect_dma source(%dma_start3A_386 : memref<2000002x64xf32, #tpu.memory_space<hbm>>) target(%dma_start3A_380 : memref<128x64xf32, #tpu.memory_space<vmem>>) offsets(%dma_start3A_383 : memref<128xi32, #tpu.memory_space<vmem>>) semaphore(%arg16 : memref<!tpu.dma_semaphore, #tpu.memory_space<semaphore_mem>>)
    %dma_wait3A_387 = arith.constant 8 : i32
    %dma_wait3A_388 = arith.constant 8 : i32
    %dma_wait3A_389 = arith.constant 0 : i32
    %dma_wait3A_390 = arith.constant 0 : i32
    %dma_wait3A_391 = arith.constant 0 : i32
    %dma_wait3A_392 = tpu.memref_slice %arg6[%dma_wait3A_388, %dma_wait3A_389, %dma_wait3A_390, %dma_wait3A_391] : memref<10x1x128x64xf32, #tpu.memory_space<vmem>> -> memref<1x1x128x64xf32, #tpu.memory_space<vmem>>
    %dma_wait3A_393 = tpu.memref_squeeze %dma_wait3A_392 : memref<1x1x128x64xf32, #tpu.memory_space<vmem>> -> memref<128x64xf32, #tpu.memory_space<vmem>>
    %dma_wait3A_394 = arith.constant 0 : i32
    %dma_wait3A_395 = tpu.memref_slice %arg5[%dma_wait3A_387, %dma_wait3A_394] : memref<200x128xi32, #tpu.memory_space<vmem>> -> memref<1x128xi32, #tpu.memory_space<vmem>>
    %dma_wait3A_396 = tpu.memref_squeeze %dma_wait3A_395 : memref<1x128xi32, #tpu.memory_space<vmem>> -> memref<128xi32, #tpu.memory_space<vmem>>
    %dma_wait3A_397 = arith.constant 0 : i32
    %dma_wait3A_398 = arith.constant 0 : i32
    %dma_wait3A_399 = tpu.memref_slice %arg3[%dma_wait3A_397, %dma_wait3A_398] : memref<2000002x64xf32, #tpu.memory_space<hbm>> -> memref<2000002x64xf32, #tpu.memory_space<hbm>>
    tpu.wait_indirect_dma semaphore(%arg15 : memref<!tpu.dma_semaphore, #tpu.memory_space<semaphore_mem>>) src(%dma_wait3A_399 : memref<2000002x64xf32, #tpu.memory_space<hbm>>) dst(%dma_wait3A_393 : memref<128x64xf32, #tpu.memory_space<vmem>>)
    %add3A_400 = arith.constant 8 : i32
    %add3A_401 = arith.addi %mul3A_2, %add3A_400 : i32
    %dma_start3A_402 = arith.constant 8 : i32
    %dma_start3A_403 = arith.constant 0 : i32
    %dma_start3A_404 = arith.constant 0 : i32
    %dma_start3A_405 = arith.constant 0 : i32
    %dma_start3A_406 = tpu.memref_slice %arg6[%dma_start3A_402, %dma_start3A_403, %dma_start3A_404, %dma_start3A_405] : memref<10x1x128x64xf32, #tpu.memory_space<vmem>> -> memref<1x1x128x64xf32, #tpu.memory_space<vmem>>
    %dma_start3A_407 = tpu.memref_squeeze %dma_start3A_406 : memref<1x1x128x64xf32, #tpu.memory_space<vmem>> -> memref<1x128x64xf32, #tpu.memory_space<vmem>>
    %dma_start3A_408 = arith.constant 0 : i32
    %dma_start3A_409 = arith.constant 0 : i32
    %dma_start3A_410 = tpu.memref_slice %arg4[%add3A_401, %dma_start3A_408, %dma_start3A_409] : memref<6400x128x128xf32, #tpu.memory_space<hbm>> -> memref<1x128x64xf32, #tpu.memory_space<hbm>>
    %dma_start3A_411 = arith.constant 0 : i32
    %dma_start3A_412 = arith.constant 0 : i32
    %dma_start3A_413 = tpu.memref_slice %arg4[%add3A_401, %dma_start3A_411, %dma_start3A_412] : memref<6400x128x128xf32, #tpu.memory_space<hbm>> -> memref<1x128x64xf32, #tpu.memory_space<hbm>>
    %dma_start3A_414 = arith.constant 0 : i32
    %dma_start3A_415 = arith.constant 0 : i32
    %dma_start3A_416 = arith.constant 0 : i32
    %dma_start3A_417 = tpu.memref_slice %arg6[%dma_start3A_402, %dma_start3A_414, %dma_start3A_415, %dma_start3A_416] : memref<10x1x128x64xf32, #tpu.memory_space<vmem>> -> memref<1x1x128x64xf32, #tpu.memory_space<vmem>>
    %dma_start3A_418 = tpu.memref_squeeze %dma_start3A_417 : memref<1x1x128x64xf32, #tpu.memory_space<vmem>> -> memref<1x128x64xf32, #tpu.memory_space<vmem>>
    tpu.enqueue_dma source(%dma_start3A_418 : memref<1x128x64xf32, #tpu.memory_space<vmem>>) target(%dma_start3A_413 : memref<1x128x64xf32, #tpu.memory_space<hbm>>) target_semaphore(%arg25 : memref<!tpu.dma_semaphore, #tpu.memory_space<semaphore_mem>>)
    %scan3A = arith.constant 0 : i32
    %scan3A_419 = arith.constant 1 : i32
    %scan3A_420 = arith.constant 20 : i32
    %scan3A_421 = arith.addi %scan3A_419, %scan3A_420 : i32
    %scan3A_422 = arith.constant 1 : i32
    scf.for %scan3A_424 = %scan3A_419 to %scan3A_421 step %scan3A_422  : i32 {
      %mul3A_425 = arith.constant 10 : i32
      %mul3A_426 = arith.muli %scan3A_424, %mul3A_425 : i32
      %add3A_427 = arith.constant 0 : i32
      %add3A_428 = arith.addi %mul3A_426, %add3A_427 : i32
      %sub3A = arith.constant 10 : i32
      %sub3A_429 = arith.subi %add3A_428, %sub3A : i32
      %lt3A = arith.constant 200 : i32
      %lt3A_430 = arith.cmpi slt, %sub3A_429, %lt3A : i32
      %convert_element_type3A = arith.extui %lt3A_430 : i1 to i32
      %cond3A = arith.constant 0 : i32
      %cond3A_431 = arith.cmpi ne, %convert_element_type3A, %cond3A : i32
      scf.if %cond3A_431 {
        %sub3A_633 = arith.constant 10 : i32
        %sub3A_634 = arith.subi %add3A_428, %sub3A_633 : i32
        %mul3A_635 = arith.constant 1 : i32
        %mul3A_636 = arith.muli %sub3A_634, %mul3A_635 : i32
        %add3A_637 = arith.addi %mul3A_2, %mul3A_636 : i32
        %dma_wait3A_638 = arith.constant 0 : i32
        %dma_wait3A_639 = arith.constant 0 : i32
        %dma_wait3A_640 = arith.constant 0 : i32
        %dma_wait3A_641 = arith.constant 0 : i32
        %dma_wait3A_642 = tpu.memref_slice %arg6[%dma_wait3A_638, %dma_wait3A_639, %dma_wait3A_640, %dma_wait3A_641] : memref<10x1x128x64xf32, #tpu.memory_space<vmem>> -> memref<1x1x128x64xf32, #tpu.memory_space<vmem>>
        %dma_wait3A_643 = tpu.memref_squeeze %dma_wait3A_642 : memref<1x1x128x64xf32, #tpu.memory_space<vmem>> -> memref<1x128x64xf32, #tpu.memory_space<vmem>>
        %dma_wait3A_644 = arith.constant 0 : i32
        %dma_wait3A_645 = arith.constant 0 : i32
        %dma_wait3A_646 = tpu.memref_slice %arg4[%add3A_637, %dma_wait3A_644, %dma_wait3A_645] : memref<6400x128x128xf32, #tpu.memory_space<hbm>> -> memref<1x128x64xf32, #tpu.memory_space<hbm>>
        %dma_wait3A_647 = arith.constant 0 : i32
        %dma_wait3A_648 = arith.constant 0 : i32
        %dma_wait3A_649 = tpu.memref_slice %arg4[%add3A_637, %dma_wait3A_647, %dma_wait3A_648] : memref<6400x128x128xf32, #tpu.memory_space<hbm>> -> memref<1x128x64xf32, #tpu.memory_space<hbm>>
        %dma_wait3A_650 = arith.constant 0 : i32
        %dma_wait3A_651 = arith.constant 0 : i32
        %dma_wait3A_652 = arith.constant 0 : i32
        %dma_wait3A_653 = tpu.memref_slice %arg6[%dma_wait3A_638, %dma_wait3A_650, %dma_wait3A_651, %dma_wait3A_652] : memref<10x1x128x64xf32, #tpu.memory_space<vmem>> -> memref<1x1x128x64xf32, #tpu.memory_space<vmem>>
        %dma_wait3A_654 = tpu.memref_squeeze %dma_wait3A_653 : memref<1x1x128x64xf32, #tpu.memory_space<vmem>> -> memref<1x128x64xf32, #tpu.memory_space<vmem>>
        tpu.wait_dma2 semaphore(%arg17 : memref<!tpu.dma_semaphore, #tpu.memory_space<semaphore_mem>>) src(%dma_wait3A_654 : memref<1x128x64xf32, #tpu.memory_space<vmem>>) dst(%dma_wait3A_649 : memref<1x128x64xf32, #tpu.memory_space<hbm>>)
      } else {
      }
      %lt3A_432 = arith.constant 200 : i32
      %lt3A_433 = arith.cmpi slt, %add3A_428, %lt3A_432 : i32
      %convert_element_type3A_434 = arith.extui %lt3A_433 : i1 to i32
      %cond3A_435 = arith.constant 0 : i32
      %cond3A_436 = arith.cmpi ne, %convert_element_type3A_434, %cond3A_435 : i32
      scf.if %cond3A_436 {
        %mul3A_633 = arith.constant 1 : i32
        %mul3A_634 = arith.muli %add3A_428, %mul3A_633 : i32
        %add3A_635 = arith.constant 0 : i32
        %add3A_636 = arith.addi %mul3A_634, %add3A_635 : i32
        %dma_start3A_637 = arith.constant 0 : i32
        %dma_start3A_638 = arith.constant 0 : i32
        %dma_start3A_639 = arith.constant 0 : i32
        %dma_start3A_640 = arith.constant 0 : i32
        %dma_start3A_641 = tpu.memref_slice %arg6[%dma_start3A_637, %dma_start3A_638, %dma_start3A_639, %dma_start3A_640] : memref<10x1x128x64xf32, #tpu.memory_space<vmem>> -> memref<1x1x128x64xf32, #tpu.memory_space<vmem>>
        %dma_start3A_642 = tpu.memref_squeeze %dma_start3A_641 : memref<1x1x128x64xf32, #tpu.memory_space<vmem>> -> memref<128x64xf32, #tpu.memory_space<vmem>>
        %dma_start3A_643 = arith.constant 0 : i32
        %dma_start3A_644 = tpu.memref_slice %arg5[%add3A_636, %dma_start3A_643] : memref<200x128xi32, #tpu.memory_space<vmem>> -> memref<1x128xi32, #tpu.memory_space<vmem>>
        %dma_start3A_645 = tpu.memref_squeeze %dma_start3A_644 : memref<1x128xi32, #tpu.memory_space<vmem>> -> memref<128xi32, #tpu.memory_space<vmem>>
        %dma_start3A_646 = arith.constant 0 : i32
        %dma_start3A_647 = arith.constant 0 : i32
        %dma_start3A_648 = tpu.memref_slice %arg3[%dma_start3A_646, %dma_start3A_647] : memref<2000002x64xf32, #tpu.memory_space<hbm>> -> memref<2000002x64xf32, #tpu.memory_space<hbm>>
        tpu.enqueue_indirect_dma source(%dma_start3A_648 : memref<2000002x64xf32, #tpu.memory_space<hbm>>) target(%dma_start3A_642 : memref<128x64xf32, #tpu.memory_space<vmem>>) offsets(%dma_start3A_645 : memref<128xi32, #tpu.memory_space<vmem>>) semaphore(%arg7 : memref<!tpu.dma_semaphore, #tpu.memory_space<semaphore_mem>>)
      } else {
      }
      %sub3A_437 = arith.constant 1 : i32
      %sub3A_438 = arith.subi %add3A_428, %sub3A_437 : i32
      %lt3A_439 = arith.constant 200 : i32
      %lt3A_440 = arith.cmpi slt, %sub3A_438, %lt3A_439 : i32
      %convert_element_type3A_441 = arith.extui %lt3A_440 : i1 to i32
      %cond3A_442 = arith.constant 0 : i32
      %cond3A_443 = arith.cmpi ne, %convert_element_type3A_441, %cond3A_442 : i32
      scf.if %cond3A_443 {
        %sub3A_633 = arith.constant 1 : i32
        %sub3A_634 = arith.subi %add3A_428, %sub3A_633 : i32
        %mul3A_635 = arith.constant 1 : i32
        %mul3A_636 = arith.muli %sub3A_634, %mul3A_635 : i32
        %add3A_637 = arith.constant 0 : i32
        %add3A_638 = arith.addi %mul3A_636, %add3A_637 : i32
        %dma_wait3A_639 = arith.constant 9 : i32
        %dma_wait3A_640 = arith.constant 0 : i32
        %dma_wait3A_641 = arith.constant 0 : i32
        %dma_wait3A_642 = arith.constant 0 : i32
        %dma_wait3A_643 = tpu.memref_slice %arg6[%dma_wait3A_639, %dma_wait3A_640, %dma_wait3A_641, %dma_wait3A_642] : memref<10x1x128x64xf32, #tpu.memory_space<vmem>> -> memref<1x1x128x64xf32, #tpu.memory_space<vmem>>
        %dma_wait3A_644 = tpu.memref_squeeze %dma_wait3A_643 : memref<1x1x128x64xf32, #tpu.memory_space<vmem>> -> memref<128x64xf32, #tpu.memory_space<vmem>>
        %dma_wait3A_645 = arith.constant 0 : i32
        %dma_wait3A_646 = tpu.memref_slice %arg5[%add3A_638, %dma_wait3A_645] : memref<200x128xi32, #tpu.memory_space<vmem>> -> memref<1x128xi32, #tpu.memory_space<vmem>>
        %dma_wait3A_647 = tpu.memref_squeeze %dma_wait3A_646 : memref<1x128xi32, #tpu.memory_space<vmem>> -> memref<128xi32, #tpu.memory_space<vmem>>
        %dma_wait3A_648 = arith.constant 0 : i32
        %dma_wait3A_649 = arith.constant 0 : i32
        %dma_wait3A_650 = tpu.memref_slice %arg3[%dma_wait3A_648, %dma_wait3A_649] : memref<2000002x64xf32, #tpu.memory_space<hbm>> -> memref<2000002x64xf32, #tpu.memory_space<hbm>>
        tpu.wait_indirect_dma semaphore(%arg16 : memref<!tpu.dma_semaphore, #tpu.memory_space<semaphore_mem>>) src(%dma_wait3A_650 : memref<2000002x64xf32, #tpu.memory_space<hbm>>) dst(%dma_wait3A_644 : memref<128x64xf32, #tpu.memory_space<vmem>>)
        %mul3A_651 = arith.constant 1 : i32
        %mul3A_652 = arith.muli %sub3A_634, %mul3A_651 : i32
        %add3A_653 = arith.addi %mul3A_2, %mul3A_652 : i32
        %dma_start3A_654 = arith.constant 9 : i32
        %dma_start3A_655 = arith.constant 0 : i32
        %dma_start3A_656 = arith.constant 0 : i32
        %dma_start3A_657 = arith.constant 0 : i32
        %dma_start3A_658 = tpu.memref_slice %arg6[%dma_start3A_654, %dma_start3A_655, %dma_start3A_656, %dma_start3A_657] : memref<10x1x128x64xf32, #tpu.memory_space<vmem>> -> memref<1x1x128x64xf32, #tpu.memory_space<vmem>>
        %dma_start3A_659 = tpu.memref_squeeze %dma_start3A_658 : memref<1x1x128x64xf32, #tpu.memory_space<vmem>> -> memref<1x128x64xf32, #tpu.memory_space<vmem>>
        %dma_start3A_660 = arith.constant 0 : i32
        %dma_start3A_661 = arith.constant 0 : i32
        %dma_start3A_662 = tpu.memref_slice %arg4[%add3A_653, %dma_start3A_660, %dma_start3A_661] : memref<6400x128x128xf32, #tpu.memory_space<hbm>> -> memref<1x128x64xf32, #tpu.memory_space<hbm>>
        %dma_start3A_663 = arith.constant 0 : i32
        %dma_start3A_664 = arith.constant 0 : i32
        %dma_start3A_665 = tpu.memref_slice %arg4[%add3A_653, %dma_start3A_663, %dma_start3A_664] : memref<6400x128x128xf32, #tpu.memory_space<hbm>> -> memref<1x128x64xf32, #tpu.memory_space<hbm>>
        %dma_start3A_666 = arith.constant 0 : i32
        %dma_start3A_667 = arith.constant 0 : i32
        %dma_start3A_668 = arith.constant 0 : i32
        %dma_start3A_669 = tpu.memref_slice %arg6[%dma_start3A_654, %dma_start3A_666, %dma_start3A_667, %dma_start3A_668] : memref<10x1x128x64xf32, #tpu.memory_space<vmem>> -> memref<1x1x128x64xf32, #tpu.memory_space<vmem>>
        %dma_start3A_670 = tpu.memref_squeeze %dma_start3A_669 : memref<1x1x128x64xf32, #tpu.memory_space<vmem>> -> memref<1x128x64xf32, #tpu.memory_space<vmem>>
        tpu.enqueue_dma source(%dma_start3A_670 : memref<1x128x64xf32, #tpu.memory_space<vmem>>) target(%dma_start3A_665 : memref<1x128x64xf32, #tpu.memory_space<hbm>>) target_semaphore(%arg26 : memref<!tpu.dma_semaphore, #tpu.memory_space<semaphore_mem>>)
      } else {
      }
      %add3A_444 = arith.constant 1 : i32
      %add3A_445 = arith.addi %mul3A_426, %add3A_444 : i32
      %sub3A_446 = arith.constant 10 : i32
      %sub3A_447 = arith.subi %add3A_445, %sub3A_446 : i32
      %lt3A_448 = arith.constant 200 : i32
      %lt3A_449 = arith.cmpi slt, %sub3A_447, %lt3A_448 : i32
      %convert_element_type3A_450 = arith.extui %lt3A_449 : i1 to i32
      %cond3A_451 = arith.constant 0 : i32
      %cond3A_452 = arith.cmpi ne, %convert_element_type3A_450, %cond3A_451 : i32
      scf.if %cond3A_452 {
        %sub3A_633 = arith.constant 10 : i32
        %sub3A_634 = arith.subi %add3A_445, %sub3A_633 : i32
        %mul3A_635 = arith.constant 1 : i32
        %mul3A_636 = arith.muli %sub3A_634, %mul3A_635 : i32
        %add3A_637 = arith.addi %mul3A_2, %mul3A_636 : i32
        %dma_wait3A_638 = arith.constant 1 : i32
        %dma_wait3A_639 = arith.constant 0 : i32
        %dma_wait3A_640 = arith.constant 0 : i32
        %dma_wait3A_641 = arith.constant 0 : i32
        %dma_wait3A_642 = tpu.memref_slice %arg6[%dma_wait3A_638, %dma_wait3A_639, %dma_wait3A_640, %dma_wait3A_641] : memref<10x1x128x64xf32, #tpu.memory_space<vmem>> -> memref<1x1x128x64xf32, #tpu.memory_space<vmem>>
        %dma_wait3A_643 = tpu.memref_squeeze %dma_wait3A_642 : memref<1x1x128x64xf32, #tpu.memory_space<vmem>> -> memref<1x128x64xf32, #tpu.memory_space<vmem>>
        %dma_wait3A_644 = arith.constant 0 : i32
        %dma_wait3A_645 = arith.constant 0 : i32
        %dma_wait3A_646 = tpu.memref_slice %arg4[%add3A_637, %dma_wait3A_644, %dma_wait3A_645] : memref<6400x128x128xf32, #tpu.memory_space<hbm>> -> memref<1x128x64xf32, #tpu.memory_space<hbm>>
        %dma_wait3A_647 = arith.constant 0 : i32
        %dma_wait3A_648 = arith.constant 0 : i32
        %dma_wait3A_649 = tpu.memref_slice %arg4[%add3A_637, %dma_wait3A_647, %dma_wait3A_648] : memref<6400x128x128xf32, #tpu.memory_space<hbm>> -> memref<1x128x64xf32, #tpu.memory_space<hbm>>
        %dma_wait3A_650 = arith.constant 0 : i32
        %dma_wait3A_651 = arith.constant 0 : i32
        %dma_wait3A_652 = arith.constant 0 : i32
        %dma_wait3A_653 = tpu.memref_slice %arg6[%dma_wait3A_638, %dma_wait3A_650, %dma_wait3A_651, %dma_wait3A_652] : memref<10x1x128x64xf32, #tpu.memory_space<vmem>> -> memref<1x1x128x64xf32, #tpu.memory_space<vmem>>
        %dma_wait3A_654 = tpu.memref_squeeze %dma_wait3A_653 : memref<1x1x128x64xf32, #tpu.memory_space<vmem>> -> memref<1x128x64xf32, #tpu.memory_space<vmem>>
        tpu.wait_dma2 semaphore(%arg18 : memref<!tpu.dma_semaphore, #tpu.memory_space<semaphore_mem>>) src(%dma_wait3A_654 : memref<1x128x64xf32, #tpu.memory_space<vmem>>) dst(%dma_wait3A_649 : memref<1x128x64xf32, #tpu.memory_space<hbm>>)
      } else {
      }
      %lt3A_453 = arith.constant 200 : i32
      %lt3A_454 = arith.cmpi slt, %add3A_445, %lt3A_453 : i32
      %convert_element_type3A_455 = arith.extui %lt3A_454 : i1 to i32
      %cond3A_456 = arith.constant 0 : i32
      %cond3A_457 = arith.cmpi ne, %convert_element_type3A_455, %cond3A_456 : i32
      scf.if %cond3A_457 {
        %mul3A_633 = arith.constant 1 : i32
        %mul3A_634 = arith.muli %add3A_445, %mul3A_633 : i32
        %add3A_635 = arith.constant 0 : i32
        %add3A_636 = arith.addi %mul3A_634, %add3A_635 : i32
        %dma_start3A_637 = arith.constant 1 : i32
        %dma_start3A_638 = arith.constant 0 : i32
        %dma_start3A_639 = arith.constant 0 : i32
        %dma_start3A_640 = arith.constant 0 : i32
        %dma_start3A_641 = tpu.memref_slice %arg6[%dma_start3A_637, %dma_start3A_638, %dma_start3A_639, %dma_start3A_640] : memref<10x1x128x64xf32, #tpu.memory_space<vmem>> -> memref<1x1x128x64xf32, #tpu.memory_space<vmem>>
        %dma_start3A_642 = tpu.memref_squeeze %dma_start3A_641 : memref<1x1x128x64xf32, #tpu.memory_space<vmem>> -> memref<128x64xf32, #tpu.memory_space<vmem>>
        %dma_start3A_643 = arith.constant 0 : i32
        %dma_start3A_644 = tpu.memref_slice %arg5[%add3A_636, %dma_start3A_643] : memref<200x128xi32, #tpu.memory_space<vmem>> -> memref<1x128xi32, #tpu.memory_space<vmem>>
        %dma_start3A_645 = tpu.memref_squeeze %dma_start3A_644 : memref<1x128xi32, #tpu.memory_space<vmem>> -> memref<128xi32, #tpu.memory_space<vmem>>
        %dma_start3A_646 = arith.constant 0 : i32
        %dma_start3A_647 = arith.constant 0 : i32
        %dma_start3A_648 = tpu.memref_slice %arg3[%dma_start3A_646, %dma_start3A_647] : memref<2000002x64xf32, #tpu.memory_space<hbm>> -> memref<2000002x64xf32, #tpu.memory_space<hbm>>
        tpu.enqueue_indirect_dma source(%dma_start3A_648 : memref<2000002x64xf32, #tpu.memory_space<hbm>>) target(%dma_start3A_642 : memref<128x64xf32, #tpu.memory_space<vmem>>) offsets(%dma_start3A_645 : memref<128xi32, #tpu.memory_space<vmem>>) semaphore(%arg8 : memref<!tpu.dma_semaphore, #tpu.memory_space<semaphore_mem>>)
      } else {
      }
      %sub3A_458 = arith.constant 1 : i32
      %sub3A_459 = arith.subi %add3A_445, %sub3A_458 : i32
      %lt3A_460 = arith.constant 200 : i32
      %lt3A_461 = arith.cmpi slt, %sub3A_459, %lt3A_460 : i32
      %convert_element_type3A_462 = arith.extui %lt3A_461 : i1 to i32
      %cond3A_463 = arith.constant 0 : i32
      %cond3A_464 = arith.cmpi ne, %convert_element_type3A_462, %cond3A_463 : i32
      scf.if %cond3A_464 {
        %sub3A_633 = arith.constant 1 : i32
        %sub3A_634 = arith.subi %add3A_445, %sub3A_633 : i32
        %mul3A_635 = arith.constant 1 : i32
        %mul3A_636 = arith.muli %sub3A_634, %mul3A_635 : i32
        %add3A_637 = arith.constant 0 : i32
        %add3A_638 = arith.addi %mul3A_636, %add3A_637 : i32
        %dma_wait3A_639 = arith.constant 0 : i32
        %dma_wait3A_640 = arith.constant 0 : i32
        %dma_wait3A_641 = arith.constant 0 : i32
        %dma_wait3A_642 = arith.constant 0 : i32
        %dma_wait3A_643 = tpu.memref_slice %arg6[%dma_wait3A_639, %dma_wait3A_640, %dma_wait3A_641, %dma_wait3A_642] : memref<10x1x128x64xf32, #tpu.memory_space<vmem>> -> memref<1x1x128x64xf32, #tpu.memory_space<vmem>>
        %dma_wait3A_644 = tpu.memref_squeeze %dma_wait3A_643 : memref<1x1x128x64xf32, #tpu.memory_space<vmem>> -> memref<128x64xf32, #tpu.memory_space<vmem>>
        %dma_wait3A_645 = arith.constant 0 : i32
        %dma_wait3A_646 = tpu.memref_slice %arg5[%add3A_638, %dma_wait3A_645] : memref<200x128xi32, #tpu.memory_space<vmem>> -> memref<1x128xi32, #tpu.memory_space<vmem>>
        %dma_wait3A_647 = tpu.memref_squeeze %dma_wait3A_646 : memref<1x128xi32, #tpu.memory_space<vmem>> -> memref<128xi32, #tpu.memory_space<vmem>>
        %dma_wait3A_648 = arith.constant 0 : i32
        %dma_wait3A_649 = arith.constant 0 : i32
        %dma_wait3A_650 = tpu.memref_slice %arg3[%dma_wait3A_648, %dma_wait3A_649] : memref<2000002x64xf32, #tpu.memory_space<hbm>> -> memref<2000002x64xf32, #tpu.memory_space<hbm>>
        tpu.wait_indirect_dma semaphore(%arg7 : memref<!tpu.dma_semaphore, #tpu.memory_space<semaphore_mem>>) src(%dma_wait3A_650 : memref<2000002x64xf32, #tpu.memory_space<hbm>>) dst(%dma_wait3A_644 : memref<128x64xf32, #tpu.memory_space<vmem>>)
        %mul3A_651 = arith.constant 1 : i32
        %mul3A_652 = arith.muli %sub3A_634, %mul3A_651 : i32
        %add3A_653 = arith.addi %mul3A_2, %mul3A_652 : i32
        %dma_start3A_654 = arith.constant 0 : i32
        %dma_start3A_655 = arith.constant 0 : i32
        %dma_start3A_656 = arith.constant 0 : i32
        %dma_start3A_657 = arith.constant 0 : i32
        %dma_start3A_658 = tpu.memref_slice %arg6[%dma_start3A_654, %dma_start3A_655, %dma_start3A_656, %dma_start3A_657] : memref<10x1x128x64xf32, #tpu.memory_space<vmem>> -> memref<1x1x128x64xf32, #tpu.memory_space<vmem>>
        %dma_start3A_659 = tpu.memref_squeeze %dma_start3A_658 : memref<1x1x128x64xf32, #tpu.memory_space<vmem>> -> memref<1x128x64xf32, #tpu.memory_space<vmem>>
        %dma_start3A_660 = arith.constant 0 : i32
        %dma_start3A_661 = arith.constant 0 : i32
        %dma_start3A_662 = tpu.memref_slice %arg4[%add3A_653, %dma_start3A_660, %dma_start3A_661] : memref<6400x128x128xf32, #tpu.memory_space<hbm>> -> memref<1x128x64xf32, #tpu.memory_space<hbm>>
        %dma_start3A_663 = arith.constant 0 : i32
        %dma_start3A_664 = arith.constant 0 : i32
        %dma_start3A_665 = tpu.memref_slice %arg4[%add3A_653, %dma_start3A_663, %dma_start3A_664] : memref<6400x128x128xf32, #tpu.memory_space<hbm>> -> memref<1x128x64xf32, #tpu.memory_space<hbm>>
        %dma_start3A_666 = arith.constant 0 : i32
        %dma_start3A_667 = arith.constant 0 : i32
        %dma_start3A_668 = arith.constant 0 : i32
        %dma_start3A_669 = tpu.memref_slice %arg6[%dma_start3A_654, %dma_start3A_666, %dma_start3A_667, %dma_start3A_668] : memref<10x1x128x64xf32, #tpu.memory_space<vmem>> -> memref<1x1x128x64xf32, #tpu.memory_space<vmem>>
        %dma_start3A_670 = tpu.memref_squeeze %dma_start3A_669 : memref<1x1x128x64xf32, #tpu.memory_space<vmem>> -> memref<1x128x64xf32, #tpu.memory_space<vmem>>
        tpu.enqueue_dma source(%dma_start3A_670 : memref<1x128x64xf32, #tpu.memory_space<vmem>>) target(%dma_start3A_665 : memref<1x128x64xf32, #tpu.memory_space<hbm>>) target_semaphore(%arg17 : memref<!tpu.dma_semaphore, #tpu.memory_space<semaphore_mem>>)
      } else {
      }
      %add3A_465 = arith.constant 2 : i32
      %add3A_466 = arith.addi %mul3A_426, %add3A_465 : i32
      %sub3A_467 = arith.constant 10 : i32
      %sub3A_468 = arith.subi %add3A_466, %sub3A_467 : i32
      %lt3A_469 = arith.constant 200 : i32
      %lt3A_470 = arith.cmpi slt, %sub3A_468, %lt3A_469 : i32
      %convert_element_type3A_471 = arith.extui %lt3A_470 : i1 to i32
      %cond3A_472 = arith.constant 0 : i32
      %cond3A_473 = arith.cmpi ne, %convert_element_type3A_471, %cond3A_472 : i32
      scf.if %cond3A_473 {
        %sub3A_633 = arith.constant 10 : i32
        %sub3A_634 = arith.subi %add3A_466, %sub3A_633 : i32
        %mul3A_635 = arith.constant 1 : i32
        %mul3A_636 = arith.muli %sub3A_634, %mul3A_635 : i32
        %add3A_637 = arith.addi %mul3A_2, %mul3A_636 : i32
        %dma_wait3A_638 = arith.constant 2 : i32
        %dma_wait3A_639 = arith.constant 0 : i32
        %dma_wait3A_640 = arith.constant 0 : i32
        %dma_wait3A_641 = arith.constant 0 : i32
        %dma_wait3A_642 = tpu.memref_slice %arg6[%dma_wait3A_638, %dma_wait3A_639, %dma_wait3A_640, %dma_wait3A_641] : memref<10x1x128x64xf32, #tpu.memory_space<vmem>> -> memref<1x1x128x64xf32, #tpu.memory_space<vmem>>
        %dma_wait3A_643 = tpu.memref_squeeze %dma_wait3A_642 : memref<1x1x128x64xf32, #tpu.memory_space<vmem>> -> memref<1x128x64xf32, #tpu.memory_space<vmem>>
        %dma_wait3A_644 = arith.constant 0 : i32
        %dma_wait3A_645 = arith.constant 0 : i32
        %dma_wait3A_646 = tpu.memref_slice %arg4[%add3A_637, %dma_wait3A_644, %dma_wait3A_645] : memref<6400x128x128xf32, #tpu.memory_space<hbm>> -> memref<1x128x64xf32, #tpu.memory_space<hbm>>
        %dma_wait3A_647 = arith.constant 0 : i32
        %dma_wait3A_648 = arith.constant 0 : i32
        %dma_wait3A_649 = tpu.memref_slice %arg4[%add3A_637, %dma_wait3A_647, %dma_wait3A_648] : memref<6400x128x128xf32, #tpu.memory_space<hbm>> -> memref<1x128x64xf32, #tpu.memory_space<hbm>>
        %dma_wait3A_650 = arith.constant 0 : i32
        %dma_wait3A_651 = arith.constant 0 : i32
        %dma_wait3A_652 = arith.constant 0 : i32
        %dma_wait3A_653 = tpu.memref_slice %arg6[%dma_wait3A_638, %dma_wait3A_650, %dma_wait3A_651, %dma_wait3A_652] : memref<10x1x128x64xf32, #tpu.memory_space<vmem>> -> memref<1x1x128x64xf32, #tpu.memory_space<vmem>>
        %dma_wait3A_654 = tpu.memref_squeeze %dma_wait3A_653 : memref<1x1x128x64xf32, #tpu.memory_space<vmem>> -> memref<1x128x64xf32, #tpu.memory_space<vmem>>
        tpu.wait_dma2 semaphore(%arg19 : memref<!tpu.dma_semaphore, #tpu.memory_space<semaphore_mem>>) src(%dma_wait3A_654 : memref<1x128x64xf32, #tpu.memory_space<vmem>>) dst(%dma_wait3A_649 : memref<1x128x64xf32, #tpu.memory_space<hbm>>)
      } else {
      }
      %lt3A_474 = arith.constant 200 : i32
      %lt3A_475 = arith.cmpi slt, %add3A_466, %lt3A_474 : i32
      %convert_element_type3A_476 = arith.extui %lt3A_475 : i1 to i32
      %cond3A_477 = arith.constant 0 : i32
      %cond3A_478 = arith.cmpi ne, %convert_element_type3A_476, %cond3A_477 : i32
      scf.if %cond3A_478 {
        %mul3A_633 = arith.constant 1 : i32
        %mul3A_634 = arith.muli %add3A_466, %mul3A_633 : i32
        %add3A_635 = arith.constant 0 : i32
        %add3A_636 = arith.addi %mul3A_634, %add3A_635 : i32
        %dma_start3A_637 = arith.constant 2 : i32
        %dma_start3A_638 = arith.constant 0 : i32
        %dma_start3A_639 = arith.constant 0 : i32
        %dma_start3A_640 = arith.constant 0 : i32
        %dma_start3A_641 = tpu.memref_slice %arg6[%dma_start3A_637, %dma_start3A_638, %dma_start3A_639, %dma_start3A_640] : memref<10x1x128x64xf32, #tpu.memory_space<vmem>> -> memref<1x1x128x64xf32, #tpu.memory_space<vmem>>
        %dma_start3A_642 = tpu.memref_squeeze %dma_start3A_641 : memref<1x1x128x64xf32, #tpu.memory_space<vmem>> -> memref<128x64xf32, #tpu.memory_space<vmem>>
        %dma_start3A_643 = arith.constant 0 : i32
        %dma_start3A_644 = tpu.memref_slice %arg5[%add3A_636, %dma_start3A_643] : memref<200x128xi32, #tpu.memory_space<vmem>> -> memref<1x128xi32, #tpu.memory_space<vmem>>
        %dma_start3A_645 = tpu.memref_squeeze %dma_start3A_644 : memref<1x128xi32, #tpu.memory_space<vmem>> -> memref<128xi32, #tpu.memory_space<vmem>>
        %dma_start3A_646 = arith.constant 0 : i32
        %dma_start3A_647 = arith.constant 0 : i32
        %dma_start3A_648 = tpu.memref_slice %arg3[%dma_start3A_646, %dma_start3A_647] : memref<2000002x64xf32, #tpu.memory_space<hbm>> -> memref<2000002x64xf32, #tpu.memory_space<hbm>>
        tpu.enqueue_indirect_dma source(%dma_start3A_648 : memref<2000002x64xf32, #tpu.memory_space<hbm>>) target(%dma_start3A_642 : memref<128x64xf32, #tpu.memory_space<vmem>>) offsets(%dma_start3A_645 : memref<128xi32, #tpu.memory_space<vmem>>) semaphore(%arg9 : memref<!tpu.dma_semaphore, #tpu.memory_space<semaphore_mem>>)
      } else {
      }
      %sub3A_479 = arith.constant 1 : i32
      %sub3A_480 = arith.subi %add3A_466, %sub3A_479 : i32
      %lt3A_481 = arith.constant 200 : i32
      %lt3A_482 = arith.cmpi slt, %sub3A_480, %lt3A_481 : i32
      %convert_element_type3A_483 = arith.extui %lt3A_482 : i1 to i32
      %cond3A_484 = arith.constant 0 : i32
      %cond3A_485 = arith.cmpi ne, %convert_element_type3A_483, %cond3A_484 : i32
      scf.if %cond3A_485 {
        %sub3A_633 = arith.constant 1 : i32
        %sub3A_634 = arith.subi %add3A_466, %sub3A_633 : i32
        %mul3A_635 = arith.constant 1 : i32
        %mul3A_636 = arith.muli %sub3A_634, %mul3A_635 : i32
        %add3A_637 = arith.constant 0 : i32
        %add3A_638 = arith.addi %mul3A_636, %add3A_637 : i32
        %dma_wait3A_639 = arith.constant 1 : i32
        %dma_wait3A_640 = arith.constant 0 : i32
        %dma_wait3A_641 = arith.constant 0 : i32
        %dma_wait3A_642 = arith.constant 0 : i32
        %dma_wait3A_643 = tpu.memref_slice %arg6[%dma_wait3A_639, %dma_wait3A_640, %dma_wait3A_641, %dma_wait3A_642] : memref<10x1x128x64xf32, #tpu.memory_space<vmem>> -> memref<1x1x128x64xf32, #tpu.memory_space<vmem>>
        %dma_wait3A_644 = tpu.memref_squeeze %dma_wait3A_643 : memref<1x1x128x64xf32, #tpu.memory_space<vmem>> -> memref<128x64xf32, #tpu.memory_space<vmem>>
        %dma_wait3A_645 = arith.constant 0 : i32
        %dma_wait3A_646 = tpu.memref_slice %arg5[%add3A_638, %dma_wait3A_645] : memref<200x128xi32, #tpu.memory_space<vmem>> -> memref<1x128xi32, #tpu.memory_space<vmem>>
        %dma_wait3A_647 = tpu.memref_squeeze %dma_wait3A_646 : memref<1x128xi32, #tpu.memory_space<vmem>> -> memref<128xi32, #tpu.memory_space<vmem>>
        %dma_wait3A_648 = arith.constant 0 : i32
        %dma_wait3A_649 = arith.constant 0 : i32
        %dma_wait3A_650 = tpu.memref_slice %arg3[%dma_wait3A_648, %dma_wait3A_649] : memref<2000002x64xf32, #tpu.memory_space<hbm>> -> memref<2000002x64xf32, #tpu.memory_space<hbm>>
        tpu.wait_indirect_dma semaphore(%arg8 : memref<!tpu.dma_semaphore, #tpu.memory_space<semaphore_mem>>) src(%dma_wait3A_650 : memref<2000002x64xf32, #tpu.memory_space<hbm>>) dst(%dma_wait3A_644 : memref<128x64xf32, #tpu.memory_space<vmem>>)
        %mul3A_651 = arith.constant 1 : i32
        %mul3A_652 = arith.muli %sub3A_634, %mul3A_651 : i32
        %add3A_653 = arith.addi %mul3A_2, %mul3A_652 : i32
        %dma_start3A_654 = arith.constant 1 : i32
        %dma_start3A_655 = arith.constant 0 : i32
        %dma_start3A_656 = arith.constant 0 : i32
        %dma_start3A_657 = arith.constant 0 : i32
        %dma_start3A_658 = tpu.memref_slice %arg6[%dma_start3A_654, %dma_start3A_655, %dma_start3A_656, %dma_start3A_657] : memref<10x1x128x64xf32, #tpu.memory_space<vmem>> -> memref<1x1x128x64xf32, #tpu.memory_space<vmem>>
        %dma_start3A_659 = tpu.memref_squeeze %dma_start3A_658 : memref<1x1x128x64xf32, #tpu.memory_space<vmem>> -> memref<1x128x64xf32, #tpu.memory_space<vmem>>
        %dma_start3A_660 = arith.constant 0 : i32
        %dma_start3A_661 = arith.constant 0 : i32
        %dma_start3A_662 = tpu.memref_slice %arg4[%add3A_653, %dma_start3A_660, %dma_start3A_661] : memref<6400x128x128xf32, #tpu.memory_space<hbm>> -> memref<1x128x64xf32, #tpu.memory_space<hbm>>
        %dma_start3A_663 = arith.constant 0 : i32
        %dma_start3A_664 = arith.constant 0 : i32
        %dma_start3A_665 = tpu.memref_slice %arg4[%add3A_653, %dma_start3A_663, %dma_start3A_664] : memref<6400x128x128xf32, #tpu.memory_space<hbm>> -> memref<1x128x64xf32, #tpu.memory_space<hbm>>
        %dma_start3A_666 = arith.constant 0 : i32
        %dma_start3A_667 = arith.constant 0 : i32
        %dma_start3A_668 = arith.constant 0 : i32
        %dma_start3A_669 = tpu.memref_slice %arg6[%dma_start3A_654, %dma_start3A_666, %dma_start3A_667, %dma_start3A_668] : memref<10x1x128x64xf32, #tpu.memory_space<vmem>> -> memref<1x1x128x64xf32, #tpu.memory_space<vmem>>
        %dma_start3A_670 = tpu.memref_squeeze %dma_start3A_669 : memref<1x1x128x64xf32, #tpu.memory_space<vmem>> -> memref<1x128x64xf32, #tpu.memory_space<vmem>>
        tpu.enqueue_dma source(%dma_start3A_670 : memref<1x128x64xf32, #tpu.memory_space<vmem>>) target(%dma_start3A_665 : memref<1x128x64xf32, #tpu.memory_space<hbm>>) target_semaphore(%arg18 : memref<!tpu.dma_semaphore, #tpu.memory_space<semaphore_mem>>)
      } else {
      }
      %add3A_486 = arith.constant 3 : i32
      %add3A_487 = arith.addi %mul3A_426, %add3A_486 : i32
      %sub3A_488 = arith.constant 10 : i32
      %sub3A_489 = arith.subi %add3A_487, %sub3A_488 : i32
      %lt3A_490 = arith.constant 200 : i32
      %lt3A_491 = arith.cmpi slt, %sub3A_489, %lt3A_490 : i32
      %convert_element_type3A_492 = arith.extui %lt3A_491 : i1 to i32
      %cond3A_493 = arith.constant 0 : i32
      %cond3A_494 = arith.cmpi ne, %convert_element_type3A_492, %cond3A_493 : i32
      scf.if %cond3A_494 {
        %sub3A_633 = arith.constant 10 : i32
        %sub3A_634 = arith.subi %add3A_487, %sub3A_633 : i32
        %mul3A_635 = arith.constant 1 : i32
        %mul3A_636 = arith.muli %sub3A_634, %mul3A_635 : i32
        %add3A_637 = arith.addi %mul3A_2, %mul3A_636 : i32
        %dma_wait3A_638 = arith.constant 3 : i32
        %dma_wait3A_639 = arith.constant 0 : i32
        %dma_wait3A_640 = arith.constant 0 : i32
        %dma_wait3A_641 = arith.constant 0 : i32
        %dma_wait3A_642 = tpu.memref_slice %arg6[%dma_wait3A_638, %dma_wait3A_639, %dma_wait3A_640, %dma_wait3A_641] : memref<10x1x128x64xf32, #tpu.memory_space<vmem>> -> memref<1x1x128x64xf32, #tpu.memory_space<vmem>>
        %dma_wait3A_643 = tpu.memref_squeeze %dma_wait3A_642 : memref<1x1x128x64xf32, #tpu.memory_space<vmem>> -> memref<1x128x64xf32, #tpu.memory_space<vmem>>
        %dma_wait3A_644 = arith.constant 0 : i32
        %dma_wait3A_645 = arith.constant 0 : i32
        %dma_wait3A_646 = tpu.memref_slice %arg4[%add3A_637, %dma_wait3A_644, %dma_wait3A_645] : memref<6400x128x128xf32, #tpu.memory_space<hbm>> -> memref<1x128x64xf32, #tpu.memory_space<hbm>>
        %dma_wait3A_647 = arith.constant 0 : i32
        %dma_wait3A_648 = arith.constant 0 : i32
        %dma_wait3A_649 = tpu.memref_slice %arg4[%add3A_637, %dma_wait3A_647, %dma_wait3A_648] : memref<6400x128x128xf32, #tpu.memory_space<hbm>> -> memref<1x128x64xf32, #tpu.memory_space<hbm>>
        %dma_wait3A_650 = arith.constant 0 : i32
        %dma_wait3A_651 = arith.constant 0 : i32
        %dma_wait3A_652 = arith.constant 0 : i32
        %dma_wait3A_653 = tpu.memref_slice %arg6[%dma_wait3A_638, %dma_wait3A_650, %dma_wait3A_651, %dma_wait3A_652] : memref<10x1x128x64xf32, #tpu.memory_space<vmem>> -> memref<1x1x128x64xf32, #tpu.memory_space<vmem>>
        %dma_wait3A_654 = tpu.memref_squeeze %dma_wait3A_653 : memref<1x1x128x64xf32, #tpu.memory_space<vmem>> -> memref<1x128x64xf32, #tpu.memory_space<vmem>>
        tpu.wait_dma2 semaphore(%arg20 : memref<!tpu.dma_semaphore, #tpu.memory_space<semaphore_mem>>) src(%dma_wait3A_654 : memref<1x128x64xf32, #tpu.memory_space<vmem>>) dst(%dma_wait3A_649 : memref<1x128x64xf32, #tpu.memory_space<hbm>>)
      } else {
      }
      %lt3A_495 = arith.constant 200 : i32
      %lt3A_496 = arith.cmpi slt, %add3A_487, %lt3A_495 : i32
      %convert_element_type3A_497 = arith.extui %lt3A_496 : i1 to i32
      %cond3A_498 = arith.constant 0 : i32
      %cond3A_499 = arith.cmpi ne, %convert_element_type3A_497, %cond3A_498 : i32
      scf.if %cond3A_499 {
        %mul3A_633 = arith.constant 1 : i32
        %mul3A_634 = arith.muli %add3A_487, %mul3A_633 : i32
        %add3A_635 = arith.constant 0 : i32
        %add3A_636 = arith.addi %mul3A_634, %add3A_635 : i32
        %dma_start3A_637 = arith.constant 3 : i32
        %dma_start3A_638 = arith.constant 0 : i32
        %dma_start3A_639 = arith.constant 0 : i32
        %dma_start3A_640 = arith.constant 0 : i32
        %dma_start3A_641 = tpu.memref_slice %arg6[%dma_start3A_637, %dma_start3A_638, %dma_start3A_639, %dma_start3A_640] : memref<10x1x128x64xf32, #tpu.memory_space<vmem>> -> memref<1x1x128x64xf32, #tpu.memory_space<vmem>>
        %dma_start3A_642 = tpu.memref_squeeze %dma_start3A_641 : memref<1x1x128x64xf32, #tpu.memory_space<vmem>> -> memref<128x64xf32, #tpu.memory_space<vmem>>
        %dma_start3A_643 = arith.constant 0 : i32
        %dma_start3A_644 = tpu.memref_slice %arg5[%add3A_636, %dma_start3A_643] : memref<200x128xi32, #tpu.memory_space<vmem>> -> memref<1x128xi32, #tpu.memory_space<vmem>>
        %dma_start3A_645 = tpu.memref_squeeze %dma_start3A_644 : memref<1x128xi32, #tpu.memory_space<vmem>> -> memref<128xi32, #tpu.memory_space<vmem>>
        %dma_start3A_646 = arith.constant 0 : i32
        %dma_start3A_647 = arith.constant 0 : i32
        %dma_start3A_648 = tpu.memref_slice %arg3[%dma_start3A_646, %dma_start3A_647] : memref<2000002x64xf32, #tpu.memory_space<hbm>> -> memref<2000002x64xf32, #tpu.memory_space<hbm>>
        tpu.enqueue_indirect_dma source(%dma_start3A_648 : memref<2000002x64xf32, #tpu.memory_space<hbm>>) target(%dma_start3A_642 : memref<128x64xf32, #tpu.memory_space<vmem>>) offsets(%dma_start3A_645 : memref<128xi32, #tpu.memory_space<vmem>>) semaphore(%arg10 : memref<!tpu.dma_semaphore, #tpu.memory_space<semaphore_mem>>)
      } else {
      }
      %sub3A_500 = arith.constant 1 : i32
      %sub3A_501 = arith.subi %add3A_487, %sub3A_500 : i32
      %lt3A_502 = arith.constant 200 : i32
      %lt3A_503 = arith.cmpi slt, %sub3A_501, %lt3A_502 : i32
      %convert_element_type3A_504 = arith.extui %lt3A_503 : i1 to i32
      %cond3A_505 = arith.constant 0 : i32
      %cond3A_506 = arith.cmpi ne, %convert_element_type3A_504, %cond3A_505 : i32
      scf.if %cond3A_506 {
        %sub3A_633 = arith.constant 1 : i32
        %sub3A_634 = arith.subi %add3A_487, %sub3A_633 : i32
        %mul3A_635 = arith.constant 1 : i32
        %mul3A_636 = arith.muli %sub3A_634, %mul3A_635 : i32
        %add3A_637 = arith.constant 0 : i32
        %add3A_638 = arith.addi %mul3A_636, %add3A_637 : i32
        %dma_wait3A_639 = arith.constant 2 : i32
        %dma_wait3A_640 = arith.constant 0 : i32
        %dma_wait3A_641 = arith.constant 0 : i32
        %dma_wait3A_642 = arith.constant 0 : i32
        %dma_wait3A_643 = tpu.memref_slice %arg6[%dma_wait3A_639, %dma_wait3A_640, %dma_wait3A_641, %dma_wait3A_642] : memref<10x1x128x64xf32, #tpu.memory_space<vmem>> -> memref<1x1x128x64xf32, #tpu.memory_space<vmem>>
        %dma_wait3A_644 = tpu.memref_squeeze %dma_wait3A_643 : memref<1x1x128x64xf32, #tpu.memory_space<vmem>> -> memref<128x64xf32, #tpu.memory_space<vmem>>
        %dma_wait3A_645 = arith.constant 0 : i32
        %dma_wait3A_646 = tpu.memref_slice %arg5[%add3A_638, %dma_wait3A_645] : memref<200x128xi32, #tpu.memory_space<vmem>> -> memref<1x128xi32, #tpu.memory_space<vmem>>
        %dma_wait3A_647 = tpu.memref_squeeze %dma_wait3A_646 : memref<1x128xi32, #tpu.memory_space<vmem>> -> memref<128xi32, #tpu.memory_space<vmem>>
        %dma_wait3A_648 = arith.constant 0 : i32
        %dma_wait3A_649 = arith.constant 0 : i32
        %dma_wait3A_650 = tpu.memref_slice %arg3[%dma_wait3A_648, %dma_wait3A_649] : memref<2000002x64xf32, #tpu.memory_space<hbm>> -> memref<2000002x64xf32, #tpu.memory_space<hbm>>
        tpu.wait_indirect_dma semaphore(%arg9 : memref<!tpu.dma_semaphore, #tpu.memory_space<semaphore_mem>>) src(%dma_wait3A_650 : memref<2000002x64xf32, #tpu.memory_space<hbm>>) dst(%dma_wait3A_644 : memref<128x64xf32, #tpu.memory_space<vmem>>)
        %mul3A_651 = arith.constant 1 : i32
        %mul3A_652 = arith.muli %sub3A_634, %mul3A_651 : i32
        %add3A_653 = arith.addi %mul3A_2, %mul3A_652 : i32
        %dma_start3A_654 = arith.constant 2 : i32
        %dma_start3A_655 = arith.constant 0 : i32
        %dma_start3A_656 = arith.constant 0 : i32
        %dma_start3A_657 = arith.constant 0 : i32
        %dma_start3A_658 = tpu.memref_slice %arg6[%dma_start3A_654, %dma_start3A_655, %dma_start3A_656, %dma_start3A_657] : memref<10x1x128x64xf32, #tpu.memory_space<vmem>> -> memref<1x1x128x64xf32, #tpu.memory_space<vmem>>
        %dma_start3A_659 = tpu.memref_squeeze %dma_start3A_658 : memref<1x1x128x64xf32, #tpu.memory_space<vmem>> -> memref<1x128x64xf32, #tpu.memory_space<vmem>>
        %dma_start3A_660 = arith.constant 0 : i32
        %dma_start3A_661 = arith.constant 0 : i32
        %dma_start3A_662 = tpu.memref_slice %arg4[%add3A_653, %dma_start3A_660, %dma_start3A_661] : memref<6400x128x128xf32, #tpu.memory_space<hbm>> -> memref<1x128x64xf32, #tpu.memory_space<hbm>>
        %dma_start3A_663 = arith.constant 0 : i32
        %dma_start3A_664 = arith.constant 0 : i32
        %dma_start3A_665 = tpu.memref_slice %arg4[%add3A_653, %dma_start3A_663, %dma_start3A_664] : memref<6400x128x128xf32, #tpu.memory_space<hbm>> -> memref<1x128x64xf32, #tpu.memory_space<hbm>>
        %dma_start3A_666 = arith.constant 0 : i32
        %dma_start3A_667 = arith.constant 0 : i32
        %dma_start3A_668 = arith.constant 0 : i32
        %dma_start3A_669 = tpu.memref_slice %arg6[%dma_start3A_654, %dma_start3A_666, %dma_start3A_667, %dma_start3A_668] : memref<10x1x128x64xf32, #tpu.memory_space<vmem>> -> memref<1x1x128x64xf32, #tpu.memory_space<vmem>>
        %dma_start3A_670 = tpu.memref_squeeze %dma_start3A_669 : memref<1x1x128x64xf32, #tpu.memory_space<vmem>> -> memref<1x128x64xf32, #tpu.memory_space<vmem>>
        tpu.enqueue_dma source(%dma_start3A_670 : memref<1x128x64xf32, #tpu.memory_space<vmem>>) target(%dma_start3A_665 : memref<1x128x64xf32, #tpu.memory_space<hbm>>) target_semaphore(%arg19 : memref<!tpu.dma_semaphore, #tpu.memory_space<semaphore_mem>>)
      } else {
      }
      %add3A_507 = arith.constant 4 : i32
      %add3A_508 = arith.addi %mul3A_426, %add3A_507 : i32
      %sub3A_509 = arith.constant 10 : i32
      %sub3A_510 = arith.subi %add3A_508, %sub3A_509 : i32
      %lt3A_511 = arith.constant 200 : i32
      %lt3A_512 = arith.cmpi slt, %sub3A_510, %lt3A_511 : i32
      %convert_element_type3A_513 = arith.extui %lt3A_512 : i1 to i32
      %cond3A_514 = arith.constant 0 : i32
      %cond3A_515 = arith.cmpi ne, %convert_element_type3A_513, %cond3A_514 : i32
      scf.if %cond3A_515 {
        %sub3A_633 = arith.constant 10 : i32
        %sub3A_634 = arith.subi %add3A_508, %sub3A_633 : i32
        %mul3A_635 = arith.constant 1 : i32
        %mul3A_636 = arith.muli %sub3A_634, %mul3A_635 : i32
        %add3A_637 = arith.addi %mul3A_2, %mul3A_636 : i32
        %dma_wait3A_638 = arith.constant 4 : i32
        %dma_wait3A_639 = arith.constant 0 : i32
        %dma_wait3A_640 = arith.constant 0 : i32
        %dma_wait3A_641 = arith.constant 0 : i32
        %dma_wait3A_642 = tpu.memref_slice %arg6[%dma_wait3A_638, %dma_wait3A_639, %dma_wait3A_640, %dma_wait3A_641] : memref<10x1x128x64xf32, #tpu.memory_space<vmem>> -> memref<1x1x128x64xf32, #tpu.memory_space<vmem>>
        %dma_wait3A_643 = tpu.memref_squeeze %dma_wait3A_642 : memref<1x1x128x64xf32, #tpu.memory_space<vmem>> -> memref<1x128x64xf32, #tpu.memory_space<vmem>>
        %dma_wait3A_644 = arith.constant 0 : i32
        %dma_wait3A_645 = arith.constant 0 : i32
        %dma_wait3A_646 = tpu.memref_slice %arg4[%add3A_637, %dma_wait3A_644, %dma_wait3A_645] : memref<6400x128x128xf32, #tpu.memory_space<hbm>> -> memref<1x128x64xf32, #tpu.memory_space<hbm>>
        %dma_wait3A_647 = arith.constant 0 : i32
        %dma_wait3A_648 = arith.constant 0 : i32
        %dma_wait3A_649 = tpu.memref_slice %arg4[%add3A_637, %dma_wait3A_647, %dma_wait3A_648] : memref<6400x128x128xf32, #tpu.memory_space<hbm>> -> memref<1x128x64xf32, #tpu.memory_space<hbm>>
        %dma_wait3A_650 = arith.constant 0 : i32
        %dma_wait3A_651 = arith.constant 0 : i32
        %dma_wait3A_652 = arith.constant 0 : i32
        %dma_wait3A_653 = tpu.memref_slice %arg6[%dma_wait3A_638, %dma_wait3A_650, %dma_wait3A_651, %dma_wait3A_652] : memref<10x1x128x64xf32, #tpu.memory_space<vmem>> -> memref<1x1x128x64xf32, #tpu.memory_space<vmem>>
        %dma_wait3A_654 = tpu.memref_squeeze %dma_wait3A_653 : memref<1x1x128x64xf32, #tpu.memory_space<vmem>> -> memref<1x128x64xf32, #tpu.memory_space<vmem>>
        tpu.wait_dma2 semaphore(%arg21 : memref<!tpu.dma_semaphore, #tpu.memory_space<semaphore_mem>>) src(%dma_wait3A_654 : memref<1x128x64xf32, #tpu.memory_space<vmem>>) dst(%dma_wait3A_649 : memref<1x128x64xf32, #tpu.memory_space<hbm>>)
      } else {
      }
      %lt3A_516 = arith.constant 200 : i32
      %lt3A_517 = arith.cmpi slt, %add3A_508, %lt3A_516 : i32
      %convert_element_type3A_518 = arith.extui %lt3A_517 : i1 to i32
      %cond3A_519 = arith.constant 0 : i32
      %cond3A_520 = arith.cmpi ne, %convert_element_type3A_518, %cond3A_519 : i32
      scf.if %cond3A_520 {
        %mul3A_633 = arith.constant 1 : i32
        %mul3A_634 = arith.muli %add3A_508, %mul3A_633 : i32
        %add3A_635 = arith.constant 0 : i32
        %add3A_636 = arith.addi %mul3A_634, %add3A_635 : i32
        %dma_start3A_637 = arith.constant 4 : i32
        %dma_start3A_638 = arith.constant 0 : i32
        %dma_start3A_639 = arith.constant 0 : i32
        %dma_start3A_640 = arith.constant 0 : i32
        %dma_start3A_641 = tpu.memref_slice %arg6[%dma_start3A_637, %dma_start3A_638, %dma_start3A_639, %dma_start3A_640] : memref<10x1x128x64xf32, #tpu.memory_space<vmem>> -> memref<1x1x128x64xf32, #tpu.memory_space<vmem>>
        %dma_start3A_642 = tpu.memref_squeeze %dma_start3A_641 : memref<1x1x128x64xf32, #tpu.memory_space<vmem>> -> memref<128x64xf32, #tpu.memory_space<vmem>>
        %dma_start3A_643 = arith.constant 0 : i32
        %dma_start3A_644 = tpu.memref_slice %arg5[%add3A_636, %dma_start3A_643] : memref<200x128xi32, #tpu.memory_space<vmem>> -> memref<1x128xi32, #tpu.memory_space<vmem>>
        %dma_start3A_645 = tpu.memref_squeeze %dma_start3A_644 : memref<1x128xi32, #tpu.memory_space<vmem>> -> memref<128xi32, #tpu.memory_space<vmem>>
        %dma_start3A_646 = arith.constant 0 : i32
        %dma_start3A_647 = arith.constant 0 : i32
        %dma_start3A_648 = tpu.memref_slice %arg3[%dma_start3A_646, %dma_start3A_647] : memref<2000002x64xf32, #tpu.memory_space<hbm>> -> memref<2000002x64xf32, #tpu.memory_space<hbm>>
        tpu.enqueue_indirect_dma source(%dma_start3A_648 : memref<2000002x64xf32, #tpu.memory_space<hbm>>) target(%dma_start3A_642 : memref<128x64xf32, #tpu.memory_space<vmem>>) offsets(%dma_start3A_645 : memref<128xi32, #tpu.memory_space<vmem>>) semaphore(%arg11 : memref<!tpu.dma_semaphore, #tpu.memory_space<semaphore_mem>>)
      } else {
      }
      %sub3A_521 = arith.constant 1 : i32
      %sub3A_522 = arith.subi %add3A_508, %sub3A_521 : i32
      %lt3A_523 = arith.constant 200 : i32
      %lt3A_524 = arith.cmpi slt, %sub3A_522, %lt3A_523 : i32
      %convert_element_type3A_525 = arith.extui %lt3A_524 : i1 to i32
      %cond3A_526 = arith.constant 0 : i32
      %cond3A_527 = arith.cmpi ne, %convert_element_type3A_525, %cond3A_526 : i32
      scf.if %cond3A_527 {
        %sub3A_633 = arith.constant 1 : i32
        %sub3A_634 = arith.subi %add3A_508, %sub3A_633 : i32
        %mul3A_635 = arith.constant 1 : i32
        %mul3A_636 = arith.muli %sub3A_634, %mul3A_635 : i32
        %add3A_637 = arith.constant 0 : i32
        %add3A_638 = arith.addi %mul3A_636, %add3A_637 : i32
        %dma_wait3A_639 = arith.constant 3 : i32
        %dma_wait3A_640 = arith.constant 0 : i32
        %dma_wait3A_641 = arith.constant 0 : i32
        %dma_wait3A_642 = arith.constant 0 : i32
        %dma_wait3A_643 = tpu.memref_slice %arg6[%dma_wait3A_639, %dma_wait3A_640, %dma_wait3A_641, %dma_wait3A_642] : memref<10x1x128x64xf32, #tpu.memory_space<vmem>> -> memref<1x1x128x64xf32, #tpu.memory_space<vmem>>
        %dma_wait3A_644 = tpu.memref_squeeze %dma_wait3A_643 : memref<1x1x128x64xf32, #tpu.memory_space<vmem>> -> memref<128x64xf32, #tpu.memory_space<vmem>>
        %dma_wait3A_645 = arith.constant 0 : i32
        %dma_wait3A_646 = tpu.memref_slice %arg5[%add3A_638, %dma_wait3A_645] : memref<200x128xi32, #tpu.memory_space<vmem>> -> memref<1x128xi32, #tpu.memory_space<vmem>>
        %dma_wait3A_647 = tpu.memref_squeeze %dma_wait3A_646 : memref<1x128xi32, #tpu.memory_space<vmem>> -> memref<128xi32, #tpu.memory_space<vmem>>
        %dma_wait3A_648 = arith.constant 0 : i32
        %dma_wait3A_649 = arith.constant 0 : i32
        %dma_wait3A_650 = tpu.memref_slice %arg3[%dma_wait3A_648, %dma_wait3A_649] : memref<2000002x64xf32, #tpu.memory_space<hbm>> -> memref<2000002x64xf32, #tpu.memory_space<hbm>>
        tpu.wait_indirect_dma semaphore(%arg10 : memref<!tpu.dma_semaphore, #tpu.memory_space<semaphore_mem>>) src(%dma_wait3A_650 : memref<2000002x64xf32, #tpu.memory_space<hbm>>) dst(%dma_wait3A_644 : memref<128x64xf32, #tpu.memory_space<vmem>>)
        %mul3A_651 = arith.constant 1 : i32
        %mul3A_652 = arith.muli %sub3A_634, %mul3A_651 : i32
        %add3A_653 = arith.addi %mul3A_2, %mul3A_652 : i32
        %dma_start3A_654 = arith.constant 3 : i32
        %dma_start3A_655 = arith.constant 0 : i32
        %dma_start3A_656 = arith.constant 0 : i32
        %dma_start3A_657 = arith.constant 0 : i32
        %dma_start3A_658 = tpu.memref_slice %arg6[%dma_start3A_654, %dma_start3A_655, %dma_start3A_656, %dma_start3A_657] : memref<10x1x128x64xf32, #tpu.memory_space<vmem>> -> memref<1x1x128x64xf32, #tpu.memory_space<vmem>>
        %dma_start3A_659 = tpu.memref_squeeze %dma_start3A_658 : memref<1x1x128x64xf32, #tpu.memory_space<vmem>> -> memref<1x128x64xf32, #tpu.memory_space<vmem>>
        %dma_start3A_660 = arith.constant 0 : i32
        %dma_start3A_661 = arith.constant 0 : i32
        %dma_start3A_662 = tpu.memref_slice %arg4[%add3A_653, %dma_start3A_660, %dma_start3A_661] : memref<6400x128x128xf32, #tpu.memory_space<hbm>> -> memref<1x128x64xf32, #tpu.memory_space<hbm>>
        %dma_start3A_663 = arith.constant 0 : i32
        %dma_start3A_664 = arith.constant 0 : i32
        %dma_start3A_665 = tpu.memref_slice %arg4[%add3A_653, %dma_start3A_663, %dma_start3A_664] : memref<6400x128x128xf32, #tpu.memory_space<hbm>> -> memref<1x128x64xf32, #tpu.memory_space<hbm>>
        %dma_start3A_666 = arith.constant 0 : i32
        %dma_start3A_667 = arith.constant 0 : i32
        %dma_start3A_668 = arith.constant 0 : i32
        %dma_start3A_669 = tpu.memref_slice %arg6[%dma_start3A_654, %dma_start3A_666, %dma_start3A_667, %dma_start3A_668] : memref<10x1x128x64xf32, #tpu.memory_space<vmem>> -> memref<1x1x128x64xf32, #tpu.memory_space<vmem>>
        %dma_start3A_670 = tpu.memref_squeeze %dma_start3A_669 : memref<1x1x128x64xf32, #tpu.memory_space<vmem>> -> memref<1x128x64xf32, #tpu.memory_space<vmem>>
        tpu.enqueue_dma source(%dma_start3A_670 : memref<1x128x64xf32, #tpu.memory_space<vmem>>) target(%dma_start3A_665 : memref<1x128x64xf32, #tpu.memory_space<hbm>>) target_semaphore(%arg20 : memref<!tpu.dma_semaphore, #tpu.memory_space<semaphore_mem>>)
      } else {
      }
      %add3A_528 = arith.constant 5 : i32
      %add3A_529 = arith.addi %mul3A_426, %add3A_528 : i32
      %sub3A_530 = arith.constant 10 : i32
      %sub3A_531 = arith.subi %add3A_529, %sub3A_530 : i32
      %lt3A_532 = arith.constant 200 : i32
      %lt3A_533 = arith.cmpi slt, %sub3A_531, %lt3A_532 : i32
      %convert_element_type3A_534 = arith.extui %lt3A_533 : i1 to i32
      %cond3A_535 = arith.constant 0 : i32
      %cond3A_536 = arith.cmpi ne, %convert_element_type3A_534, %cond3A_535 : i32
      scf.if %cond3A_536 {
        %sub3A_633 = arith.constant 10 : i32
        %sub3A_634 = arith.subi %add3A_529, %sub3A_633 : i32
        %mul3A_635 = arith.constant 1 : i32
        %mul3A_636 = arith.muli %sub3A_634, %mul3A_635 : i32
        %add3A_637 = arith.addi %mul3A_2, %mul3A_636 : i32
        %dma_wait3A_638 = arith.constant 5 : i32
        %dma_wait3A_639 = arith.constant 0 : i32
        %dma_wait3A_640 = arith.constant 0 : i32
        %dma_wait3A_641 = arith.constant 0 : i32
        %dma_wait3A_642 = tpu.memref_slice %arg6[%dma_wait3A_638, %dma_wait3A_639, %dma_wait3A_640, %dma_wait3A_641] : memref<10x1x128x64xf32, #tpu.memory_space<vmem>> -> memref<1x1x128x64xf32, #tpu.memory_space<vmem>>
        %dma_wait3A_643 = tpu.memref_squeeze %dma_wait3A_642 : memref<1x1x128x64xf32, #tpu.memory_space<vmem>> -> memref<1x128x64xf32, #tpu.memory_space<vmem>>
        %dma_wait3A_644 = arith.constant 0 : i32
        %dma_wait3A_645 = arith.constant 0 : i32
        %dma_wait3A_646 = tpu.memref_slice %arg4[%add3A_637, %dma_wait3A_644, %dma_wait3A_645] : memref<6400x128x128xf32, #tpu.memory_space<hbm>> -> memref<1x128x64xf32, #tpu.memory_space<hbm>>
        %dma_wait3A_647 = arith.constant 0 : i32
        %dma_wait3A_648 = arith.constant 0 : i32
        %dma_wait3A_649 = tpu.memref_slice %arg4[%add3A_637, %dma_wait3A_647, %dma_wait3A_648] : memref<6400x128x128xf32, #tpu.memory_space<hbm>> -> memref<1x128x64xf32, #tpu.memory_space<hbm>>
        %dma_wait3A_650 = arith.constant 0 : i32
        %dma_wait3A_651 = arith.constant 0 : i32
        %dma_wait3A_652 = arith.constant 0 : i32
        %dma_wait3A_653 = tpu.memref_slice %arg6[%dma_wait3A_638, %dma_wait3A_650, %dma_wait3A_651, %dma_wait3A_652] : memref<10x1x128x64xf32, #tpu.memory_space<vmem>> -> memref<1x1x128x64xf32, #tpu.memory_space<vmem>>
        %dma_wait3A_654 = tpu.memref_squeeze %dma_wait3A_653 : memref<1x1x128x64xf32, #tpu.memory_space<vmem>> -> memref<1x128x64xf32, #tpu.memory_space<vmem>>
        tpu.wait_dma2 semaphore(%arg22 : memref<!tpu.dma_semaphore, #tpu.memory_space<semaphore_mem>>) src(%dma_wait3A_654 : memref<1x128x64xf32, #tpu.memory_space<vmem>>) dst(%dma_wait3A_649 : memref<1x128x64xf32, #tpu.memory_space<hbm>>)
      } else {
      }
      %lt3A_537 = arith.constant 200 : i32
      %lt3A_538 = arith.cmpi slt, %add3A_529, %lt3A_537 : i32
      %convert_element_type3A_539 = arith.extui %lt3A_538 : i1 to i32
      %cond3A_540 = arith.constant 0 : i32
      %cond3A_541 = arith.cmpi ne, %convert_element_type3A_539, %cond3A_540 : i32
      scf.if %cond3A_541 {
        %mul3A_633 = arith.constant 1 : i32
        %mul3A_634 = arith.muli %add3A_529, %mul3A_633 : i32
        %add3A_635 = arith.constant 0 : i32
        %add3A_636 = arith.addi %mul3A_634, %add3A_635 : i32
        %dma_start3A_637 = arith.constant 5 : i32
        %dma_start3A_638 = arith.constant 0 : i32
        %dma_start3A_639 = arith.constant 0 : i32
        %dma_start3A_640 = arith.constant 0 : i32
        %dma_start3A_641 = tpu.memref_slice %arg6[%dma_start3A_637, %dma_start3A_638, %dma_start3A_639, %dma_start3A_640] : memref<10x1x128x64xf32, #tpu.memory_space<vmem>> -> memref<1x1x128x64xf32, #tpu.memory_space<vmem>>
        %dma_start3A_642 = tpu.memref_squeeze %dma_start3A_641 : memref<1x1x128x64xf32, #tpu.memory_space<vmem>> -> memref<128x64xf32, #tpu.memory_space<vmem>>
        %dma_start3A_643 = arith.constant 0 : i32
        %dma_start3A_644 = tpu.memref_slice %arg5[%add3A_636, %dma_start3A_643] : memref<200x128xi32, #tpu.memory_space<vmem>> -> memref<1x128xi32, #tpu.memory_space<vmem>>
        %dma_start3A_645 = tpu.memref_squeeze %dma_start3A_644 : memref<1x128xi32, #tpu.memory_space<vmem>> -> memref<128xi32, #tpu.memory_space<vmem>>
        %dma_start3A_646 = arith.constant 0 : i32
        %dma_start3A_647 = arith.constant 0 : i32
        %dma_start3A_648 = tpu.memref_slice %arg3[%dma_start3A_646, %dma_start3A_647] : memref<2000002x64xf32, #tpu.memory_space<hbm>> -> memref<2000002x64xf32, #tpu.memory_space<hbm>>
        tpu.enqueue_indirect_dma source(%dma_start3A_648 : memref<2000002x64xf32, #tpu.memory_space<hbm>>) target(%dma_start3A_642 : memref<128x64xf32, #tpu.memory_space<vmem>>) offsets(%dma_start3A_645 : memref<128xi32, #tpu.memory_space<vmem>>) semaphore(%arg12 : memref<!tpu.dma_semaphore, #tpu.memory_space<semaphore_mem>>)
      } else {
      }
      %sub3A_542 = arith.constant 1 : i32
      %sub3A_543 = arith.subi %add3A_529, %sub3A_542 : i32
      %lt3A_544 = arith.constant 200 : i32
      %lt3A_545 = arith.cmpi slt, %sub3A_543, %lt3A_544 : i32
      %convert_element_type3A_546 = arith.extui %lt3A_545 : i1 to i32
      %cond3A_547 = arith.constant 0 : i32
      %cond3A_548 = arith.cmpi ne, %convert_element_type3A_546, %cond3A_547 : i32
      scf.if %cond3A_548 {
        %sub3A_633 = arith.constant 1 : i32
        %sub3A_634 = arith.subi %add3A_529, %sub3A_633 : i32
        %mul3A_635 = arith.constant 1 : i32
        %mul3A_636 = arith.muli %sub3A_634, %mul3A_635 : i32
        %add3A_637 = arith.constant 0 : i32
        %add3A_638 = arith.addi %mul3A_636, %add3A_637 : i32
        %dma_wait3A_639 = arith.constant 4 : i32
        %dma_wait3A_640 = arith.constant 0 : i32
        %dma_wait3A_641 = arith.constant 0 : i32
        %dma_wait3A_642 = arith.constant 0 : i32
        %dma_wait3A_643 = tpu.memref_slice %arg6[%dma_wait3A_639, %dma_wait3A_640, %dma_wait3A_641, %dma_wait3A_642] : memref<10x1x128x64xf32, #tpu.memory_space<vmem>> -> memref<1x1x128x64xf32, #tpu.memory_space<vmem>>
        %dma_wait3A_644 = tpu.memref_squeeze %dma_wait3A_643 : memref<1x1x128x64xf32, #tpu.memory_space<vmem>> -> memref<128x64xf32, #tpu.memory_space<vmem>>
        %dma_wait3A_645 = arith.constant 0 : i32
        %dma_wait3A_646 = tpu.memref_slice %arg5[%add3A_638, %dma_wait3A_645] : memref<200x128xi32, #tpu.memory_space<vmem>> -> memref<1x128xi32, #tpu.memory_space<vmem>>
        %dma_wait3A_647 = tpu.memref_squeeze %dma_wait3A_646 : memref<1x128xi32, #tpu.memory_space<vmem>> -> memref<128xi32, #tpu.memory_space<vmem>>
        %dma_wait3A_648 = arith.constant 0 : i32
        %dma_wait3A_649 = arith.constant 0 : i32
        %dma_wait3A_650 = tpu.memref_slice %arg3[%dma_wait3A_648, %dma_wait3A_649] : memref<2000002x64xf32, #tpu.memory_space<hbm>> -> memref<2000002x64xf32, #tpu.memory_space<hbm>>
        tpu.wait_indirect_dma semaphore(%arg11 : memref<!tpu.dma_semaphore, #tpu.memory_space<semaphore_mem>>) src(%dma_wait3A_650 : memref<2000002x64xf32, #tpu.memory_space<hbm>>) dst(%dma_wait3A_644 : memref<128x64xf32, #tpu.memory_space<vmem>>)
        %mul3A_651 = arith.constant 1 : i32
        %mul3A_652 = arith.muli %sub3A_634, %mul3A_651 : i32
        %add3A_653 = arith.addi %mul3A_2, %mul3A_652 : i32
        %dma_start3A_654 = arith.constant 4 : i32
        %dma_start3A_655 = arith.constant 0 : i32
        %dma_start3A_656 = arith.constant 0 : i32
        %dma_start3A_657 = arith.constant 0 : i32
        %dma_start3A_658 = tpu.memref_slice %arg6[%dma_start3A_654, %dma_start3A_655, %dma_start3A_656, %dma_start3A_657] : memref<10x1x128x64xf32, #tpu.memory_space<vmem>> -> memref<1x1x128x64xf32, #tpu.memory_space<vmem>>
        %dma_start3A_659 = tpu.memref_squeeze %dma_start3A_658 : memref<1x1x128x64xf32, #tpu.memory_space<vmem>> -> memref<1x128x64xf32, #tpu.memory_space<vmem>>
        %dma_start3A_660 = arith.constant 0 : i32
        %dma_start3A_661 = arith.constant 0 : i32
        %dma_start3A_662 = tpu.memref_slice %arg4[%add3A_653, %dma_start3A_660, %dma_start3A_661] : memref<6400x128x128xf32, #tpu.memory_space<hbm>> -> memref<1x128x64xf32, #tpu.memory_space<hbm>>
        %dma_start3A_663 = arith.constant 0 : i32
        %dma_start3A_664 = arith.constant 0 : i32
        %dma_start3A_665 = tpu.memref_slice %arg4[%add3A_653, %dma_start3A_663, %dma_start3A_664] : memref<6400x128x128xf32, #tpu.memory_space<hbm>> -> memref<1x128x64xf32, #tpu.memory_space<hbm>>
        %dma_start3A_666 = arith.constant 0 : i32
        %dma_start3A_667 = arith.constant 0 : i32
        %dma_start3A_668 = arith.constant 0 : i32
        %dma_start3A_669 = tpu.memref_slice %arg6[%dma_start3A_654, %dma_start3A_666, %dma_start3A_667, %dma_start3A_668] : memref<10x1x128x64xf32, #tpu.memory_space<vmem>> -> memref<1x1x128x64xf32, #tpu.memory_space<vmem>>
        %dma_start3A_670 = tpu.memref_squeeze %dma_start3A_669 : memref<1x1x128x64xf32, #tpu.memory_space<vmem>> -> memref<1x128x64xf32, #tpu.memory_space<vmem>>
        tpu.enqueue_dma source(%dma_start3A_670 : memref<1x128x64xf32, #tpu.memory_space<vmem>>) target(%dma_start3A_665 : memref<1x128x64xf32, #tpu.memory_space<hbm>>) target_semaphore(%arg21 : memref<!tpu.dma_semaphore, #tpu.memory_space<semaphore_mem>>)
      } else {
      }
      %add3A_549 = arith.constant 6 : i32
      %add3A_550 = arith.addi %mul3A_426, %add3A_549 : i32
      %sub3A_551 = arith.constant 10 : i32
      %sub3A_552 = arith.subi %add3A_550, %sub3A_551 : i32
      %lt3A_553 = arith.constant 200 : i32
      %lt3A_554 = arith.cmpi slt, %sub3A_552, %lt3A_553 : i32
      %convert_element_type3A_555 = arith.extui %lt3A_554 : i1 to i32
      %cond3A_556 = arith.constant 0 : i32
      %cond3A_557 = arith.cmpi ne, %convert_element_type3A_555, %cond3A_556 : i32
      scf.if %cond3A_557 {
        %sub3A_633 = arith.constant 10 : i32
        %sub3A_634 = arith.subi %add3A_550, %sub3A_633 : i32
        %mul3A_635 = arith.constant 1 : i32
        %mul3A_636 = arith.muli %sub3A_634, %mul3A_635 : i32
        %add3A_637 = arith.addi %mul3A_2, %mul3A_636 : i32
        %dma_wait3A_638 = arith.constant 6 : i32
        %dma_wait3A_639 = arith.constant 0 : i32
        %dma_wait3A_640 = arith.constant 0 : i32
        %dma_wait3A_641 = arith.constant 0 : i32
        %dma_wait3A_642 = tpu.memref_slice %arg6[%dma_wait3A_638, %dma_wait3A_639, %dma_wait3A_640, %dma_wait3A_641] : memref<10x1x128x64xf32, #tpu.memory_space<vmem>> -> memref<1x1x128x64xf32, #tpu.memory_space<vmem>>
        %dma_wait3A_643 = tpu.memref_squeeze %dma_wait3A_642 : memref<1x1x128x64xf32, #tpu.memory_space<vmem>> -> memref<1x128x64xf32, #tpu.memory_space<vmem>>
        %dma_wait3A_644 = arith.constant 0 : i32
        %dma_wait3A_645 = arith.constant 0 : i32
        %dma_wait3A_646 = tpu.memref_slice %arg4[%add3A_637, %dma_wait3A_644, %dma_wait3A_645] : memref<6400x128x128xf32, #tpu.memory_space<hbm>> -> memref<1x128x64xf32, #tpu.memory_space<hbm>>
        %dma_wait3A_647 = arith.constant 0 : i32
        %dma_wait3A_648 = arith.constant 0 : i32
        %dma_wait3A_649 = tpu.memref_slice %arg4[%add3A_637, %dma_wait3A_647, %dma_wait3A_648] : memref<6400x128x128xf32, #tpu.memory_space<hbm>> -> memref<1x128x64xf32, #tpu.memory_space<hbm>>
        %dma_wait3A_650 = arith.constant 0 : i32
        %dma_wait3A_651 = arith.constant 0 : i32
        %dma_wait3A_652 = arith.constant 0 : i32
        %dma_wait3A_653 = tpu.memref_slice %arg6[%dma_wait3A_638, %dma_wait3A_650, %dma_wait3A_651, %dma_wait3A_652] : memref<10x1x128x64xf32, #tpu.memory_space<vmem>> -> memref<1x1x128x64xf32, #tpu.memory_space<vmem>>
        %dma_wait3A_654 = tpu.memref_squeeze %dma_wait3A_653 : memref<1x1x128x64xf32, #tpu.memory_space<vmem>> -> memref<1x128x64xf32, #tpu.memory_space<vmem>>
        tpu.wait_dma2 semaphore(%arg23 : memref<!tpu.dma_semaphore, #tpu.memory_space<semaphore_mem>>) src(%dma_wait3A_654 : memref<1x128x64xf32, #tpu.memory_space<vmem>>) dst(%dma_wait3A_649 : memref<1x128x64xf32, #tpu.memory_space<hbm>>)
      } else {
      }
      %lt3A_558 = arith.constant 200 : i32
      %lt3A_559 = arith.cmpi slt, %add3A_550, %lt3A_558 : i32
      %convert_element_type3A_560 = arith.extui %lt3A_559 : i1 to i32
      %cond3A_561 = arith.constant 0 : i32
      %cond3A_562 = arith.cmpi ne, %convert_element_type3A_560, %cond3A_561 : i32
      scf.if %cond3A_562 {
        %mul3A_633 = arith.constant 1 : i32
        %mul3A_634 = arith.muli %add3A_550, %mul3A_633 : i32
        %add3A_635 = arith.constant 0 : i32
        %add3A_636 = arith.addi %mul3A_634, %add3A_635 : i32
        %dma_start3A_637 = arith.constant 6 : i32
        %dma_start3A_638 = arith.constant 0 : i32
        %dma_start3A_639 = arith.constant 0 : i32
        %dma_start3A_640 = arith.constant 0 : i32
        %dma_start3A_641 = tpu.memref_slice %arg6[%dma_start3A_637, %dma_start3A_638, %dma_start3A_639, %dma_start3A_640] : memref<10x1x128x64xf32, #tpu.memory_space<vmem>> -> memref<1x1x128x64xf32, #tpu.memory_space<vmem>>
        %dma_start3A_642 = tpu.memref_squeeze %dma_start3A_641 : memref<1x1x128x64xf32, #tpu.memory_space<vmem>> -> memref<128x64xf32, #tpu.memory_space<vmem>>
        %dma_start3A_643 = arith.constant 0 : i32
        %dma_start3A_644 = tpu.memref_slice %arg5[%add3A_636, %dma_start3A_643] : memref<200x128xi32, #tpu.memory_space<vmem>> -> memref<1x128xi32, #tpu.memory_space<vmem>>
        %dma_start3A_645 = tpu.memref_squeeze %dma_start3A_644 : memref<1x128xi32, #tpu.memory_space<vmem>> -> memref<128xi32, #tpu.memory_space<vmem>>
        %dma_start3A_646 = arith.constant 0 : i32
        %dma_start3A_647 = arith.constant 0 : i32
        %dma_start3A_648 = tpu.memref_slice %arg3[%dma_start3A_646, %dma_start3A_647] : memref<2000002x64xf32, #tpu.memory_space<hbm>> -> memref<2000002x64xf32, #tpu.memory_space<hbm>>
        tpu.enqueue_indirect_dma source(%dma_start3A_648 : memref<2000002x64xf32, #tpu.memory_space<hbm>>) target(%dma_start3A_642 : memref<128x64xf32, #tpu.memory_space<vmem>>) offsets(%dma_start3A_645 : memref<128xi32, #tpu.memory_space<vmem>>) semaphore(%arg13 : memref<!tpu.dma_semaphore, #tpu.memory_space<semaphore_mem>>)
      } else {
      }
      %sub3A_563 = arith.constant 1 : i32
      %sub3A_564 = arith.subi %add3A_550, %sub3A_563 : i32
      %lt3A_565 = arith.constant 200 : i32
      %lt3A_566 = arith.cmpi slt, %sub3A_564, %lt3A_565 : i32
      %convert_element_type3A_567 = arith.extui %lt3A_566 : i1 to i32
      %cond3A_568 = arith.constant 0 : i32
      %cond3A_569 = arith.cmpi ne, %convert_element_type3A_567, %cond3A_568 : i32
      scf.if %cond3A_569 {
        %sub3A_633 = arith.constant 1 : i32
        %sub3A_634 = arith.subi %add3A_550, %sub3A_633 : i32
        %mul3A_635 = arith.constant 1 : i32
        %mul3A_636 = arith.muli %sub3A_634, %mul3A_635 : i32
        %add3A_637 = arith.constant 0 : i32
        %add3A_638 = arith.addi %mul3A_636, %add3A_637 : i32
        %dma_wait3A_639 = arith.constant 5 : i32
        %dma_wait3A_640 = arith.constant 0 : i32
        %dma_wait3A_641 = arith.constant 0 : i32
        %dma_wait3A_642 = arith.constant 0 : i32
        %dma_wait3A_643 = tpu.memref_slice %arg6[%dma_wait3A_639, %dma_wait3A_640, %dma_wait3A_641, %dma_wait3A_642] : memref<10x1x128x64xf32, #tpu.memory_space<vmem>> -> memref<1x1x128x64xf32, #tpu.memory_space<vmem>>
        %dma_wait3A_644 = tpu.memref_squeeze %dma_wait3A_643 : memref<1x1x128x64xf32, #tpu.memory_space<vmem>> -> memref<128x64xf32, #tpu.memory_space<vmem>>
        %dma_wait3A_645 = arith.constant 0 : i32
        %dma_wait3A_646 = tpu.memref_slice %arg5[%add3A_638, %dma_wait3A_645] : memref<200x128xi32, #tpu.memory_space<vmem>> -> memref<1x128xi32, #tpu.memory_space<vmem>>
        %dma_wait3A_647 = tpu.memref_squeeze %dma_wait3A_646 : memref<1x128xi32, #tpu.memory_space<vmem>> -> memref<128xi32, #tpu.memory_space<vmem>>
        %dma_wait3A_648 = arith.constant 0 : i32
        %dma_wait3A_649 = arith.constant 0 : i32
        %dma_wait3A_650 = tpu.memref_slice %arg3[%dma_wait3A_648, %dma_wait3A_649] : memref<2000002x64xf32, #tpu.memory_space<hbm>> -> memref<2000002x64xf32, #tpu.memory_space<hbm>>
        tpu.wait_indirect_dma semaphore(%arg12 : memref<!tpu.dma_semaphore, #tpu.memory_space<semaphore_mem>>) src(%dma_wait3A_650 : memref<2000002x64xf32, #tpu.memory_space<hbm>>) dst(%dma_wait3A_644 : memref<128x64xf32, #tpu.memory_space<vmem>>)
        %mul3A_651 = arith.constant 1 : i32
        %mul3A_652 = arith.muli %sub3A_634, %mul3A_651 : i32
        %add3A_653 = arith.addi %mul3A_2, %mul3A_652 : i32
        %dma_start3A_654 = arith.constant 5 : i32
        %dma_start3A_655 = arith.constant 0 : i32
        %dma_start3A_656 = arith.constant 0 : i32
        %dma_start3A_657 = arith.constant 0 : i32
        %dma_start3A_658 = tpu.memref_slice %arg6[%dma_start3A_654, %dma_start3A_655, %dma_start3A_656, %dma_start3A_657] : memref<10x1x128x64xf32, #tpu.memory_space<vmem>> -> memref<1x1x128x64xf32, #tpu.memory_space<vmem>>
        %dma_start3A_659 = tpu.memref_squeeze %dma_start3A_658 : memref<1x1x128x64xf32, #tpu.memory_space<vmem>> -> memref<1x128x64xf32, #tpu.memory_space<vmem>>
        %dma_start3A_660 = arith.constant 0 : i32
        %dma_start3A_661 = arith.constant 0 : i32
        %dma_start3A_662 = tpu.memref_slice %arg4[%add3A_653, %dma_start3A_660, %dma_start3A_661] : memref<6400x128x128xf32, #tpu.memory_space<hbm>> -> memref<1x128x64xf32, #tpu.memory_space<hbm>>
        %dma_start3A_663 = arith.constant 0 : i32
        %dma_start3A_664 = arith.constant 0 : i32
        %dma_start3A_665 = tpu.memref_slice %arg4[%add3A_653, %dma_start3A_663, %dma_start3A_664] : memref<6400x128x128xf32, #tpu.memory_space<hbm>> -> memref<1x128x64xf32, #tpu.memory_space<hbm>>
        %dma_start3A_666 = arith.constant 0 : i32
        %dma_start3A_667 = arith.constant 0 : i32
        %dma_start3A_668 = arith.constant 0 : i32
        %dma_start3A_669 = tpu.memref_slice %arg6[%dma_start3A_654, %dma_start3A_666, %dma_start3A_667, %dma_start3A_668] : memref<10x1x128x64xf32, #tpu.memory_space<vmem>> -> memref<1x1x128x64xf32, #tpu.memory_space<vmem>>
        %dma_start3A_670 = tpu.memref_squeeze %dma_start3A_669 : memref<1x1x128x64xf32, #tpu.memory_space<vmem>> -> memref<1x128x64xf32, #tpu.memory_space<vmem>>
        tpu.enqueue_dma source(%dma_start3A_670 : memref<1x128x64xf32, #tpu.memory_space<vmem>>) target(%dma_start3A_665 : memref<1x128x64xf32, #tpu.memory_space<hbm>>) target_semaphore(%arg22 : memref<!tpu.dma_semaphore, #tpu.memory_space<semaphore_mem>>)
      } else {
      }
      %add3A_570 = arith.constant 7 : i32
      %add3A_571 = arith.addi %mul3A_426, %add3A_570 : i32
      %sub3A_572 = arith.constant 10 : i32
      %sub3A_573 = arith.subi %add3A_571, %sub3A_572 : i32
      %lt3A_574 = arith.constant 200 : i32
      %lt3A_575 = arith.cmpi slt, %sub3A_573, %lt3A_574 : i32
      %convert_element_type3A_576 = arith.extui %lt3A_575 : i1 to i32
      %cond3A_577 = arith.constant 0 : i32
      %cond3A_578 = arith.cmpi ne, %convert_element_type3A_576, %cond3A_577 : i32
      scf.if %cond3A_578 {
        %sub3A_633 = arith.constant 10 : i32
        %sub3A_634 = arith.subi %add3A_571, %sub3A_633 : i32
        %mul3A_635 = arith.constant 1 : i32
        %mul3A_636 = arith.muli %sub3A_634, %mul3A_635 : i32
        %add3A_637 = arith.addi %mul3A_2, %mul3A_636 : i32
        %dma_wait3A_638 = arith.constant 7 : i32
        %dma_wait3A_639 = arith.constant 0 : i32
        %dma_wait3A_640 = arith.constant 0 : i32
        %dma_wait3A_641 = arith.constant 0 : i32
        %dma_wait3A_642 = tpu.memref_slice %arg6[%dma_wait3A_638, %dma_wait3A_639, %dma_wait3A_640, %dma_wait3A_641] : memref<10x1x128x64xf32, #tpu.memory_space<vmem>> -> memref<1x1x128x64xf32, #tpu.memory_space<vmem>>
        %dma_wait3A_643 = tpu.memref_squeeze %dma_wait3A_642 : memref<1x1x128x64xf32, #tpu.memory_space<vmem>> -> memref<1x128x64xf32, #tpu.memory_space<vmem>>
        %dma_wait3A_644 = arith.constant 0 : i32
        %dma_wait3A_645 = arith.constant 0 : i32
        %dma_wait3A_646 = tpu.memref_slice %arg4[%add3A_637, %dma_wait3A_644, %dma_wait3A_645] : memref<6400x128x128xf32, #tpu.memory_space<hbm>> -> memref<1x128x64xf32, #tpu.memory_space<hbm>>
        %dma_wait3A_647 = arith.constant 0 : i32
        %dma_wait3A_648 = arith.constant 0 : i32
        %dma_wait3A_649 = tpu.memref_slice %arg4[%add3A_637, %dma_wait3A_647, %dma_wait3A_648] : memref<6400x128x128xf32, #tpu.memory_space<hbm>> -> memref<1x128x64xf32, #tpu.memory_space<hbm>>
        %dma_wait3A_650 = arith.constant 0 : i32
        %dma_wait3A_651 = arith.constant 0 : i32
        %dma_wait3A_652 = arith.constant 0 : i32
        %dma_wait3A_653 = tpu.memref_slice %arg6[%dma_wait3A_638, %dma_wait3A_650, %dma_wait3A_651, %dma_wait3A_652] : memref<10x1x128x64xf32, #tpu.memory_space<vmem>> -> memref<1x1x128x64xf32, #tpu.memory_space<vmem>>
        %dma_wait3A_654 = tpu.memref_squeeze %dma_wait3A_653 : memref<1x1x128x64xf32, #tpu.memory_space<vmem>> -> memref<1x128x64xf32, #tpu.memory_space<vmem>>
        tpu.wait_dma2 semaphore(%arg24 : memref<!tpu.dma_semaphore, #tpu.memory_space<semaphore_mem>>) src(%dma_wait3A_654 : memref<1x128x64xf32, #tpu.memory_space<vmem>>) dst(%dma_wait3A_649 : memref<1x128x64xf32, #tpu.memory_space<hbm>>)
      } else {
      }
      %lt3A_579 = arith.constant 200 : i32
      %lt3A_580 = arith.cmpi slt, %add3A_571, %lt3A_579 : i32
      %convert_element_type3A_581 = arith.extui %lt3A_580 : i1 to i32
      %cond3A_582 = arith.constant 0 : i32
      %cond3A_583 = arith.cmpi ne, %convert_element_type3A_581, %cond3A_582 : i32
      scf.if %cond3A_583 {
        %mul3A_633 = arith.constant 1 : i32
        %mul3A_634 = arith.muli %add3A_571, %mul3A_633 : i32
        %add3A_635 = arith.constant 0 : i32
        %add3A_636 = arith.addi %mul3A_634, %add3A_635 : i32
        %dma_start3A_637 = arith.constant 7 : i32
        %dma_start3A_638 = arith.constant 0 : i32
        %dma_start3A_639 = arith.constant 0 : i32
        %dma_start3A_640 = arith.constant 0 : i32
        %dma_start3A_641 = tpu.memref_slice %arg6[%dma_start3A_637, %dma_start3A_638, %dma_start3A_639, %dma_start3A_640] : memref<10x1x128x64xf32, #tpu.memory_space<vmem>> -> memref<1x1x128x64xf32, #tpu.memory_space<vmem>>
        %dma_start3A_642 = tpu.memref_squeeze %dma_start3A_641 : memref<1x1x128x64xf32, #tpu.memory_space<vmem>> -> memref<128x64xf32, #tpu.memory_space<vmem>>
        %dma_start3A_643 = arith.constant 0 : i32
        %dma_start3A_644 = tpu.memref_slice %arg5[%add3A_636, %dma_start3A_643] : memref<200x128xi32, #tpu.memory_space<vmem>> -> memref<1x128xi32, #tpu.memory_space<vmem>>
        %dma_start3A_645 = tpu.memref_squeeze %dma_start3A_644 : memref<1x128xi32, #tpu.memory_space<vmem>> -> memref<128xi32, #tpu.memory_space<vmem>>
        %dma_start3A_646 = arith.constant 0 : i32
        %dma_start3A_647 = arith.constant 0 : i32
        %dma_start3A_648 = tpu.memref_slice %arg3[%dma_start3A_646, %dma_start3A_647] : memref<2000002x64xf32, #tpu.memory_space<hbm>> -> memref<2000002x64xf32, #tpu.memory_space<hbm>>
        tpu.enqueue_indirect_dma source(%dma_start3A_648 : memref<2000002x64xf32, #tpu.memory_space<hbm>>) target(%dma_start3A_642 : memref<128x64xf32, #tpu.memory_space<vmem>>) offsets(%dma_start3A_645 : memref<128xi32, #tpu.memory_space<vmem>>) semaphore(%arg14 : memref<!tpu.dma_semaphore, #tpu.memory_space<semaphore_mem>>)
      } else {
      }
      %sub3A_584 = arith.constant 1 : i32
      %sub3A_585 = arith.subi %add3A_571, %sub3A_584 : i32
      %lt3A_586 = arith.constant 200 : i32
      %lt3A_587 = arith.cmpi slt, %sub3A_585, %lt3A_586 : i32
      %convert_element_type3A_588 = arith.extui %lt3A_587 : i1 to i32
      %cond3A_589 = arith.constant 0 : i32
      %cond3A_590 = arith.cmpi ne, %convert_element_type3A_588, %cond3A_589 : i32
      scf.if %cond3A_590 {
        %sub3A_633 = arith.constant 1 : i32
        %sub3A_634 = arith.subi %add3A_571, %sub3A_633 : i32
        %mul3A_635 = arith.constant 1 : i32
        %mul3A_636 = arith.muli %sub3A_634, %mul3A_635 : i32
        %add3A_637 = arith.constant 0 : i32
        %add3A_638 = arith.addi %mul3A_636, %add3A_637 : i32
        %dma_wait3A_639 = arith.constant 6 : i32
        %dma_wait3A_640 = arith.constant 0 : i32
        %dma_wait3A_641 = arith.constant 0 : i32
        %dma_wait3A_642 = arith.constant 0 : i32
        %dma_wait3A_643 = tpu.memref_slice %arg6[%dma_wait3A_639, %dma_wait3A_640, %dma_wait3A_641, %dma_wait3A_642] : memref<10x1x128x64xf32, #tpu.memory_space<vmem>> -> memref<1x1x128x64xf32, #tpu.memory_space<vmem>>
        %dma_wait3A_644 = tpu.memref_squeeze %dma_wait3A_643 : memref<1x1x128x64xf32, #tpu.memory_space<vmem>> -> memref<128x64xf32, #tpu.memory_space<vmem>>
        %dma_wait3A_645 = arith.constant 0 : i32
        %dma_wait3A_646 = tpu.memref_slice %arg5[%add3A_638, %dma_wait3A_645] : memref<200x128xi32, #tpu.memory_space<vmem>> -> memref<1x128xi32, #tpu.memory_space<vmem>>
        %dma_wait3A_647 = tpu.memref_squeeze %dma_wait3A_646 : memref<1x128xi32, #tpu.memory_space<vmem>> -> memref<128xi32, #tpu.memory_space<vmem>>
        %dma_wait3A_648 = arith.constant 0 : i32
        %dma_wait3A_649 = arith.constant 0 : i32
        %dma_wait3A_650 = tpu.memref_slice %arg3[%dma_wait3A_648, %dma_wait3A_649] : memref<2000002x64xf32, #tpu.memory_space<hbm>> -> memref<2000002x64xf32, #tpu.memory_space<hbm>>
        tpu.wait_indirect_dma semaphore(%arg13 : memref<!tpu.dma_semaphore, #tpu.memory_space<semaphore_mem>>) src(%dma_wait3A_650 : memref<2000002x64xf32, #tpu.memory_space<hbm>>) dst(%dma_wait3A_644 : memref<128x64xf32, #tpu.memory_space<vmem>>)
        %mul3A_651 = arith.constant 1 : i32
        %mul3A_652 = arith.muli %sub3A_634, %mul3A_651 : i32
        %add3A_653 = arith.addi %mul3A_2, %mul3A_652 : i32
        %dma_start3A_654 = arith.constant 6 : i32
        %dma_start3A_655 = arith.constant 0 : i32
        %dma_start3A_656 = arith.constant 0 : i32
        %dma_start3A_657 = arith.constant 0 : i32
        %dma_start3A_658 = tpu.memref_slice %arg6[%dma_start3A_654, %dma_start3A_655, %dma_start3A_656, %dma_start3A_657] : memref<10x1x128x64xf32, #tpu.memory_space<vmem>> -> memref<1x1x128x64xf32, #tpu.memory_space<vmem>>
        %dma_start3A_659 = tpu.memref_squeeze %dma_start3A_658 : memref<1x1x128x64xf32, #tpu.memory_space<vmem>> -> memref<1x128x64xf32, #tpu.memory_space<vmem>>
        %dma_start3A_660 = arith.constant 0 : i32
        %dma_start3A_661 = arith.constant 0 : i32
        %dma_start3A_662 = tpu.memref_slice %arg4[%add3A_653, %dma_start3A_660, %dma_start3A_661] : memref<6400x128x128xf32, #tpu.memory_space<hbm>> -> memref<1x128x64xf32, #tpu.memory_space<hbm>>
        %dma_start3A_663 = arith.constant 0 : i32
        %dma_start3A_664 = arith.constant 0 : i32
        %dma_start3A_665 = tpu.memref_slice %arg4[%add3A_653, %dma_start3A_663, %dma_start3A_664] : memref<6400x128x128xf32, #tpu.memory_space<hbm>> -> memref<1x128x64xf32, #tpu.memory_space<hbm>>
        %dma_start3A_666 = arith.constant 0 : i32
        %dma_start3A_667 = arith.constant 0 : i32
        %dma_start3A_668 = arith.constant 0 : i32
        %dma_start3A_669 = tpu.memref_slice %arg6[%dma_start3A_654, %dma_start3A_666, %dma_start3A_667, %dma_start3A_668] : memref<10x1x128x64xf32, #tpu.memory_space<vmem>> -> memref<1x1x128x64xf32, #tpu.memory_space<vmem>>
        %dma_start3A_670 = tpu.memref_squeeze %dma_start3A_669 : memref<1x1x128x64xf32, #tpu.memory_space<vmem>> -> memref<1x128x64xf32, #tpu.memory_space<vmem>>
        tpu.enqueue_dma source(%dma_start3A_670 : memref<1x128x64xf32, #tpu.memory_space<vmem>>) target(%dma_start3A_665 : memref<1x128x64xf32, #tpu.memory_space<hbm>>) target_semaphore(%arg23 : memref<!tpu.dma_semaphore, #tpu.memory_space<semaphore_mem>>)
      } else {
      }
      %add3A_591 = arith.constant 8 : i32
      %add3A_592 = arith.addi %mul3A_426, %add3A_591 : i32
      %sub3A_593 = arith.constant 10 : i32
      %sub3A_594 = arith.subi %add3A_592, %sub3A_593 : i32
      %lt3A_595 = arith.constant 200 : i32
      %lt3A_596 = arith.cmpi slt, %sub3A_594, %lt3A_595 : i32
      %convert_element_type3A_597 = arith.extui %lt3A_596 : i1 to i32
      %cond3A_598 = arith.constant 0 : i32
      %cond3A_599 = arith.cmpi ne, %convert_element_type3A_597, %cond3A_598 : i32
      scf.if %cond3A_599 {
        %sub3A_633 = arith.constant 10 : i32
        %sub3A_634 = arith.subi %add3A_592, %sub3A_633 : i32
        %mul3A_635 = arith.constant 1 : i32
        %mul3A_636 = arith.muli %sub3A_634, %mul3A_635 : i32
        %add3A_637 = arith.addi %mul3A_2, %mul3A_636 : i32
        %dma_wait3A_638 = arith.constant 8 : i32
        %dma_wait3A_639 = arith.constant 0 : i32
        %dma_wait3A_640 = arith.constant 0 : i32
        %dma_wait3A_641 = arith.constant 0 : i32
        %dma_wait3A_642 = tpu.memref_slice %arg6[%dma_wait3A_638, %dma_wait3A_639, %dma_wait3A_640, %dma_wait3A_641] : memref<10x1x128x64xf32, #tpu.memory_space<vmem>> -> memref<1x1x128x64xf32, #tpu.memory_space<vmem>>
        %dma_wait3A_643 = tpu.memref_squeeze %dma_wait3A_642 : memref<1x1x128x64xf32, #tpu.memory_space<vmem>> -> memref<1x128x64xf32, #tpu.memory_space<vmem>>
        %dma_wait3A_644 = arith.constant 0 : i32
        %dma_wait3A_645 = arith.constant 0 : i32
        %dma_wait3A_646 = tpu.memref_slice %arg4[%add3A_637, %dma_wait3A_644, %dma_wait3A_645] : memref<6400x128x128xf32, #tpu.memory_space<hbm>> -> memref<1x128x64xf32, #tpu.memory_space<hbm>>
        %dma_wait3A_647 = arith.constant 0 : i32
        %dma_wait3A_648 = arith.constant 0 : i32
        %dma_wait3A_649 = tpu.memref_slice %arg4[%add3A_637, %dma_wait3A_647, %dma_wait3A_648] : memref<6400x128x128xf32, #tpu.memory_space<hbm>> -> memref<1x128x64xf32, #tpu.memory_space<hbm>>
        %dma_wait3A_650 = arith.constant 0 : i32
        %dma_wait3A_651 = arith.constant 0 : i32
        %dma_wait3A_652 = arith.constant 0 : i32
        %dma_wait3A_653 = tpu.memref_slice %arg6[%dma_wait3A_638, %dma_wait3A_650, %dma_wait3A_651, %dma_wait3A_652] : memref<10x1x128x64xf32, #tpu.memory_space<vmem>> -> memref<1x1x128x64xf32, #tpu.memory_space<vmem>>
        %dma_wait3A_654 = tpu.memref_squeeze %dma_wait3A_653 : memref<1x1x128x64xf32, #tpu.memory_space<vmem>> -> memref<1x128x64xf32, #tpu.memory_space<vmem>>
        tpu.wait_dma2 semaphore(%arg25 : memref<!tpu.dma_semaphore, #tpu.memory_space<semaphore_mem>>) src(%dma_wait3A_654 : memref<1x128x64xf32, #tpu.memory_space<vmem>>) dst(%dma_wait3A_649 : memref<1x128x64xf32, #tpu.memory_space<hbm>>)
      } else {
      }
      %lt3A_600 = arith.constant 200 : i32
      %lt3A_601 = arith.cmpi slt, %add3A_592, %lt3A_600 : i32
      %convert_element_type3A_602 = arith.extui %lt3A_601 : i1 to i32
      %cond3A_603 = arith.constant 0 : i32
      %cond3A_604 = arith.cmpi ne, %convert_element_type3A_602, %cond3A_603 : i32
      scf.if %cond3A_604 {
        %mul3A_633 = arith.constant 1 : i32
        %mul3A_634 = arith.muli %add3A_592, %mul3A_633 : i32
        %add3A_635 = arith.constant 0 : i32
        %add3A_636 = arith.addi %mul3A_634, %add3A_635 : i32
        %dma_start3A_637 = arith.constant 8 : i32
        %dma_start3A_638 = arith.constant 0 : i32
        %dma_start3A_639 = arith.constant 0 : i32
        %dma_start3A_640 = arith.constant 0 : i32
        %dma_start3A_641 = tpu.memref_slice %arg6[%dma_start3A_637, %dma_start3A_638, %dma_start3A_639, %dma_start3A_640] : memref<10x1x128x64xf32, #tpu.memory_space<vmem>> -> memref<1x1x128x64xf32, #tpu.memory_space<vmem>>
        %dma_start3A_642 = tpu.memref_squeeze %dma_start3A_641 : memref<1x1x128x64xf32, #tpu.memory_space<vmem>> -> memref<128x64xf32, #tpu.memory_space<vmem>>
        %dma_start3A_643 = arith.constant 0 : i32
        %dma_start3A_644 = tpu.memref_slice %arg5[%add3A_636, %dma_start3A_643] : memref<200x128xi32, #tpu.memory_space<vmem>> -> memref<1x128xi32, #tpu.memory_space<vmem>>
        %dma_start3A_645 = tpu.memref_squeeze %dma_start3A_644 : memref<1x128xi32, #tpu.memory_space<vmem>> -> memref<128xi32, #tpu.memory_space<vmem>>
        %dma_start3A_646 = arith.constant 0 : i32
        %dma_start3A_647 = arith.constant 0 : i32
        %dma_start3A_648 = tpu.memref_slice %arg3[%dma_start3A_646, %dma_start3A_647] : memref<2000002x64xf32, #tpu.memory_space<hbm>> -> memref<2000002x64xf32, #tpu.memory_space<hbm>>
        tpu.enqueue_indirect_dma source(%dma_start3A_648 : memref<2000002x64xf32, #tpu.memory_space<hbm>>) target(%dma_start3A_642 : memref<128x64xf32, #tpu.memory_space<vmem>>) offsets(%dma_start3A_645 : memref<128xi32, #tpu.memory_space<vmem>>) semaphore(%arg15 : memref<!tpu.dma_semaphore, #tpu.memory_space<semaphore_mem>>)
      } else {
      }
      %sub3A_605 = arith.constant 1 : i32
      %sub3A_606 = arith.subi %add3A_592, %sub3A_605 : i32
      %lt3A_607 = arith.constant 200 : i32
      %lt3A_608 = arith.cmpi slt, %sub3A_606, %lt3A_607 : i32
      %convert_element_type3A_609 = arith.extui %lt3A_608 : i1 to i32
      %cond3A_610 = arith.constant 0 : i32
      %cond3A_611 = arith.cmpi ne, %convert_element_type3A_609, %cond3A_610 : i32
      scf.if %cond3A_611 {
        %sub3A_633 = arith.constant 1 : i32
        %sub3A_634 = arith.subi %add3A_592, %sub3A_633 : i32
        %mul3A_635 = arith.constant 1 : i32
        %mul3A_636 = arith.muli %sub3A_634, %mul3A_635 : i32
        %add3A_637 = arith.constant 0 : i32
        %add3A_638 = arith.addi %mul3A_636, %add3A_637 : i32
        %dma_wait3A_639 = arith.constant 7 : i32
        %dma_wait3A_640 = arith.constant 0 : i32
        %dma_wait3A_641 = arith.constant 0 : i32
        %dma_wait3A_642 = arith.constant 0 : i32
        %dma_wait3A_643 = tpu.memref_slice %arg6[%dma_wait3A_639, %dma_wait3A_640, %dma_wait3A_641, %dma_wait3A_642] : memref<10x1x128x64xf32, #tpu.memory_space<vmem>> -> memref<1x1x128x64xf32, #tpu.memory_space<vmem>>
        %dma_wait3A_644 = tpu.memref_squeeze %dma_wait3A_643 : memref<1x1x128x64xf32, #tpu.memory_space<vmem>> -> memref<128x64xf32, #tpu.memory_space<vmem>>
        %dma_wait3A_645 = arith.constant 0 : i32
        %dma_wait3A_646 = tpu.memref_slice %arg5[%add3A_638, %dma_wait3A_645] : memref<200x128xi32, #tpu.memory_space<vmem>> -> memref<1x128xi32, #tpu.memory_space<vmem>>
        %dma_wait3A_647 = tpu.memref_squeeze %dma_wait3A_646 : memref<1x128xi32, #tpu.memory_space<vmem>> -> memref<128xi32, #tpu.memory_space<vmem>>
        %dma_wait3A_648 = arith.constant 0 : i32
        %dma_wait3A_649 = arith.constant 0 : i32
        %dma_wait3A_650 = tpu.memref_slice %arg3[%dma_wait3A_648, %dma_wait3A_649] : memref<2000002x64xf32, #tpu.memory_space<hbm>> -> memref<2000002x64xf32, #tpu.memory_space<hbm>>
        tpu.wait_indirect_dma semaphore(%arg14 : memref<!tpu.dma_semaphore, #tpu.memory_space<semaphore_mem>>) src(%dma_wait3A_650 : memref<2000002x64xf32, #tpu.memory_space<hbm>>) dst(%dma_wait3A_644 : memref<128x64xf32, #tpu.memory_space<vmem>>)
        %mul3A_651 = arith.constant 1 : i32
        %mul3A_652 = arith.muli %sub3A_634, %mul3A_651 : i32
        %add3A_653 = arith.addi %mul3A_2, %mul3A_652 : i32
        %dma_start3A_654 = arith.constant 7 : i32
        %dma_start3A_655 = arith.constant 0 : i32
        %dma_start3A_656 = arith.constant 0 : i32
        %dma_start3A_657 = arith.constant 0 : i32
        %dma_start3A_658 = tpu.memref_slice %arg6[%dma_start3A_654, %dma_start3A_655, %dma_start3A_656, %dma_start3A_657] : memref<10x1x128x64xf32, #tpu.memory_space<vmem>> -> memref<1x1x128x64xf32, #tpu.memory_space<vmem>>
        %dma_start3A_659 = tpu.memref_squeeze %dma_start3A_658 : memref<1x1x128x64xf32, #tpu.memory_space<vmem>> -> memref<1x128x64xf32, #tpu.memory_space<vmem>>
        %dma_start3A_660 = arith.constant 0 : i32
        %dma_start3A_661 = arith.constant 0 : i32
        %dma_start3A_662 = tpu.memref_slice %arg4[%add3A_653, %dma_start3A_660, %dma_start3A_661] : memref<6400x128x128xf32, #tpu.memory_space<hbm>> -> memref<1x128x64xf32, #tpu.memory_space<hbm>>
        %dma_start3A_663 = arith.constant 0 : i32
        %dma_start3A_664 = arith.constant 0 : i32
        %dma_start3A_665 = tpu.memref_slice %arg4[%add3A_653, %dma_start3A_663, %dma_start3A_664] : memref<6400x128x128xf32, #tpu.memory_space<hbm>> -> memref<1x128x64xf32, #tpu.memory_space<hbm>>
        %dma_start3A_666 = arith.constant 0 : i32
        %dma_start3A_667 = arith.constant 0 : i32
        %dma_start3A_668 = arith.constant 0 : i32
        %dma_start3A_669 = tpu.memref_slice %arg6[%dma_start3A_654, %dma_start3A_666, %dma_start3A_667, %dma_start3A_668] : memref<10x1x128x64xf32, #tpu.memory_space<vmem>> -> memref<1x1x128x64xf32, #tpu.memory_space<vmem>>
        %dma_start3A_670 = tpu.memref_squeeze %dma_start3A_669 : memref<1x1x128x64xf32, #tpu.memory_space<vmem>> -> memref<1x128x64xf32, #tpu.memory_space<vmem>>
        tpu.enqueue_dma source(%dma_start3A_670 : memref<1x128x64xf32, #tpu.memory_space<vmem>>) target(%dma_start3A_665 : memref<1x128x64xf32, #tpu.memory_space<hbm>>) target_semaphore(%arg24 : memref<!tpu.dma_semaphore, #tpu.memory_space<semaphore_mem>>)
      } else {
      }
      %add3A_612 = arith.constant 9 : i32
      %add3A_613 = arith.addi %mul3A_426, %add3A_612 : i32
      %sub3A_614 = arith.constant 10 : i32
      %sub3A_615 = arith.subi %add3A_613, %sub3A_614 : i32
      %lt3A_616 = arith.constant 200 : i32
      %lt3A_617 = arith.cmpi slt, %sub3A_615, %lt3A_616 : i32
      %convert_element_type3A_618 = arith.extui %lt3A_617 : i1 to i32
      %cond3A_619 = arith.constant 0 : i32
      %cond3A_620 = arith.cmpi ne, %convert_element_type3A_618, %cond3A_619 : i32
      scf.if %cond3A_620 {
        %sub3A_633 = arith.constant 10 : i32
        %sub3A_634 = arith.subi %add3A_613, %sub3A_633 : i32
        %mul3A_635 = arith.constant 1 : i32
        %mul3A_636 = arith.muli %sub3A_634, %mul3A_635 : i32
        %add3A_637 = arith.addi %mul3A_2, %mul3A_636 : i32
        %dma_wait3A_638 = arith.constant 9 : i32
        %dma_wait3A_639 = arith.constant 0 : i32
        %dma_wait3A_640 = arith.constant 0 : i32
        %dma_wait3A_641 = arith.constant 0 : i32
        %dma_wait3A_642 = tpu.memref_slice %arg6[%dma_wait3A_638, %dma_wait3A_639, %dma_wait3A_640, %dma_wait3A_641] : memref<10x1x128x64xf32, #tpu.memory_space<vmem>> -> memref<1x1x128x64xf32, #tpu.memory_space<vmem>>
        %dma_wait3A_643 = tpu.memref_squeeze %dma_wait3A_642 : memref<1x1x128x64xf32, #tpu.memory_space<vmem>> -> memref<1x128x64xf32, #tpu.memory_space<vmem>>
        %dma_wait3A_644 = arith.constant 0 : i32
        %dma_wait3A_645 = arith.constant 0 : i32
        %dma_wait3A_646 = tpu.memref_slice %arg4[%add3A_637, %dma_wait3A_644, %dma_wait3A_645] : memref<6400x128x128xf32, #tpu.memory_space<hbm>> -> memref<1x128x64xf32, #tpu.memory_space<hbm>>
        %dma_wait3A_647 = arith.constant 0 : i32
        %dma_wait3A_648 = arith.constant 0 : i32
        %dma_wait3A_649 = tpu.memref_slice %arg4[%add3A_637, %dma_wait3A_647, %dma_wait3A_648] : memref<6400x128x128xf32, #tpu.memory_space<hbm>> -> memref<1x128x64xf32, #tpu.memory_space<hbm>>
        %dma_wait3A_650 = arith.constant 0 : i32
        %dma_wait3A_651 = arith.constant 0 : i32
        %dma_wait3A_652 = arith.constant 0 : i32
        %dma_wait3A_653 = tpu.memref_slice %arg6[%dma_wait3A_638, %dma_wait3A_650, %dma_wait3A_651, %dma_wait3A_652] : memref<10x1x128x64xf32, #tpu.memory_space<vmem>> -> memref<1x1x128x64xf32, #tpu.memory_space<vmem>>
        %dma_wait3A_654 = tpu.memref_squeeze %dma_wait3A_653 : memref<1x1x128x64xf32, #tpu.memory_space<vmem>> -> memref<1x128x64xf32, #tpu.memory_space<vmem>>
        tpu.wait_dma2 semaphore(%arg26 : memref<!tpu.dma_semaphore, #tpu.memory_space<semaphore_mem>>) src(%dma_wait3A_654 : memref<1x128x64xf32, #tpu.memory_space<vmem>>) dst(%dma_wait3A_649 : memref<1x128x64xf32, #tpu.memory_space<hbm>>)
      } else {
      }
      %lt3A_621 = arith.constant 200 : i32
      %lt3A_622 = arith.cmpi slt, %add3A_613, %lt3A_621 : i32
      %convert_element_type3A_623 = arith.extui %lt3A_622 : i1 to i32
      %cond3A_624 = arith.constant 0 : i32
      %cond3A_625 = arith.cmpi ne, %convert_element_type3A_623, %cond3A_624 : i32
      scf.if %cond3A_625 {
        %mul3A_633 = arith.constant 1 : i32
        %mul3A_634 = arith.muli %add3A_613, %mul3A_633 : i32
        %add3A_635 = arith.constant 0 : i32
        %add3A_636 = arith.addi %mul3A_634, %add3A_635 : i32
        %dma_start3A_637 = arith.constant 9 : i32
        %dma_start3A_638 = arith.constant 0 : i32
        %dma_start3A_639 = arith.constant 0 : i32
        %dma_start3A_640 = arith.constant 0 : i32
        %dma_start3A_641 = tpu.memref_slice %arg6[%dma_start3A_637, %dma_start3A_638, %dma_start3A_639, %dma_start3A_640] : memref<10x1x128x64xf32, #tpu.memory_space<vmem>> -> memref<1x1x128x64xf32, #tpu.memory_space<vmem>>
        %dma_start3A_642 = tpu.memref_squeeze %dma_start3A_641 : memref<1x1x128x64xf32, #tpu.memory_space<vmem>> -> memref<128x64xf32, #tpu.memory_space<vmem>>
        %dma_start3A_643 = arith.constant 0 : i32
        %dma_start3A_644 = tpu.memref_slice %arg5[%add3A_636, %dma_start3A_643] : memref<200x128xi32, #tpu.memory_space<vmem>> -> memref<1x128xi32, #tpu.memory_space<vmem>>
        %dma_start3A_645 = tpu.memref_squeeze %dma_start3A_644 : memref<1x128xi32, #tpu.memory_space<vmem>> -> memref<128xi32, #tpu.memory_space<vmem>>
        %dma_start3A_646 = arith.constant 0 : i32
        %dma_start3A_647 = arith.constant 0 : i32
        %dma_start3A_648 = tpu.memref_slice %arg3[%dma_start3A_646, %dma_start3A_647] : memref<2000002x64xf32, #tpu.memory_space<hbm>> -> memref<2000002x64xf32, #tpu.memory_space<hbm>>
        tpu.enqueue_indirect_dma source(%dma_start3A_648 : memref<2000002x64xf32, #tpu.memory_space<hbm>>) target(%dma_start3A_642 : memref<128x64xf32, #tpu.memory_space<vmem>>) offsets(%dma_start3A_645 : memref<128xi32, #tpu.memory_space<vmem>>) semaphore(%arg16 : memref<!tpu.dma_semaphore, #tpu.memory_space<semaphore_mem>>)
      } else {
      }
      %sub3A_626 = arith.constant 1 : i32
      %sub3A_627 = arith.subi %add3A_613, %sub3A_626 : i32
      %lt3A_628 = arith.constant 200 : i32
      %lt3A_629 = arith.cmpi slt, %sub3A_627, %lt3A_628 : i32
      %convert_element_type3A_630 = arith.extui %lt3A_629 : i1 to i32
      %cond3A_631 = arith.constant 0 : i32
      %cond3A_632 = arith.cmpi ne, %convert_element_type3A_630, %cond3A_631 : i32
      scf.if %cond3A_632 {
        %sub3A_633 = arith.constant 1 : i32
        %sub3A_634 = arith.subi %add3A_613, %sub3A_633 : i32
        %mul3A_635 = arith.constant 1 : i32
        %mul3A_636 = arith.muli %sub3A_634, %mul3A_635 : i32
        %add3A_637 = arith.constant 0 : i32
        %add3A_638 = arith.addi %mul3A_636, %add3A_637 : i32
        %dma_wait3A_639 = arith.constant 8 : i32
        %dma_wait3A_640 = arith.constant 0 : i32
        %dma_wait3A_641 = arith.constant 0 : i32
        %dma_wait3A_642 = arith.constant 0 : i32
        %dma_wait3A_643 = tpu.memref_slice %arg6[%dma_wait3A_639, %dma_wait3A_640, %dma_wait3A_641, %dma_wait3A_642] : memref<10x1x128x64xf32, #tpu.memory_space<vmem>> -> memref<1x1x128x64xf32, #tpu.memory_space<vmem>>
        %dma_wait3A_644 = tpu.memref_squeeze %dma_wait3A_643 : memref<1x1x128x64xf32, #tpu.memory_space<vmem>> -> memref<128x64xf32, #tpu.memory_space<vmem>>
        %dma_wait3A_645 = arith.constant 0 : i32
        %dma_wait3A_646 = tpu.memref_slice %arg5[%add3A_638, %dma_wait3A_645] : memref<200x128xi32, #tpu.memory_space<vmem>> -> memref<1x128xi32, #tpu.memory_space<vmem>>
        %dma_wait3A_647 = tpu.memref_squeeze %dma_wait3A_646 : memref<1x128xi32, #tpu.memory_space<vmem>> -> memref<128xi32, #tpu.memory_space<vmem>>
        %dma_wait3A_648 = arith.constant 0 : i32
        %dma_wait3A_649 = arith.constant 0 : i32
        %dma_wait3A_650 = tpu.memref_slice %arg3[%dma_wait3A_648, %dma_wait3A_649] : memref<2000002x64xf32, #tpu.memory_space<hbm>> -> memref<2000002x64xf32, #tpu.memory_space<hbm>>
        tpu.wait_indirect_dma semaphore(%arg15 : memref<!tpu.dma_semaphore, #tpu.memory_space<semaphore_mem>>) src(%dma_wait3A_650 : memref<2000002x64xf32, #tpu.memory_space<hbm>>) dst(%dma_wait3A_644 : memref<128x64xf32, #tpu.memory_space<vmem>>)
        %mul3A_651 = arith.constant 1 : i32
        %mul3A_652 = arith.muli %sub3A_634, %mul3A_651 : i32
        %add3A_653 = arith.addi %mul3A_2, %mul3A_652 : i32
        %dma_start3A_654 = arith.constant 8 : i32
        %dma_start3A_655 = arith.constant 0 : i32
        %dma_start3A_656 = arith.constant 0 : i32
        %dma_start3A_657 = arith.constant 0 : i32
        %dma_start3A_658 = tpu.memref_slice %arg6[%dma_start3A_654, %dma_start3A_655, %dma_start3A_656, %dma_start3A_657] : memref<10x1x128x64xf32, #tpu.memory_space<vmem>> -> memref<1x1x128x64xf32, #tpu.memory_space<vmem>>
        %dma_start3A_659 = tpu.memref_squeeze %dma_start3A_658 : memref<1x1x128x64xf32, #tpu.memory_space<vmem>> -> memref<1x128x64xf32, #tpu.memory_space<vmem>>
        %dma_start3A_660 = arith.constant 0 : i32
        %dma_start3A_661 = arith.constant 0 : i32
        %dma_start3A_662 = tpu.memref_slice %arg4[%add3A_653, %dma_start3A_660, %dma_start3A_661] : memref<6400x128x128xf32, #tpu.memory_space<hbm>> -> memref<1x128x64xf32, #tpu.memory_space<hbm>>
        %dma_start3A_663 = arith.constant 0 : i32
        %dma_start3A_664 = arith.constant 0 : i32
        %dma_start3A_665 = tpu.memref_slice %arg4[%add3A_653, %dma_start3A_663, %dma_start3A_664] : memref<6400x128x128xf32, #tpu.memory_space<hbm>> -> memref<1x128x64xf32, #tpu.memory_space<hbm>>
        %dma_start3A_666 = arith.constant 0 : i32
        %dma_start3A_667 = arith.constant 0 : i32
        %dma_start3A_668 = arith.constant 0 : i32
        %dma_start3A_669 = tpu.memref_slice %arg6[%dma_start3A_654, %dma_start3A_666, %dma_start3A_667, %dma_start3A_668] : memref<10x1x128x64xf32, #tpu.memory_space<vmem>> -> memref<1x1x128x64xf32, #tpu.memory_space<vmem>>
        %dma_start3A_670 = tpu.memref_squeeze %dma_start3A_669 : memref<1x1x128x64xf32, #tpu.memory_space<vmem>> -> memref<1x128x64xf32, #tpu.memory_space<vmem>>
        tpu.enqueue_dma source(%dma_start3A_670 : memref<1x128x64xf32, #tpu.memory_space<vmem>>) target(%dma_start3A_665 : memref<1x128x64xf32, #tpu.memory_space<hbm>>) target_semaphore(%arg25 : memref<!tpu.dma_semaphore, #tpu.memory_space<semaphore_mem>>)
      } else {
      }
    }
    %scan3A_423 = arith.constant 20 : i32
    return
  }
}

</mosaic_0001>

<sc_bundles>
// kernel: kernel.3.cloned.1.call-start
scs
__scs_entry_jumppad:
0x0: {  	(pc) =	sbr.rel $0x88, $3  }
0x1: {  	(tag) =	ssettag $0x0;
	lr =	simm.s32 $0x1  }
0x2: {  	[smem:$0x3F9C] =	sst lr;
	_ =	strace $0xD0000000  }
0x3: {  	_ = 	snop  }
0x4: {  	_ = 	snop  }
0x5: {  	_ = 	snop  }
0x6: {  	_ = 	snop  }
0x7: {  	_ = 	snop  }
__scs_overlays_trampoline_lowered:
0x8: {  	[smem:$0x3FAB] =	sst s0  }
0x9: {  	[smem:$0x3FAC] =	sst s1  }
0xa: {  	[smem:$0x3FAD] =	sst s2  }
0xb: {  	[smem:$0x3FAE] =	sst s3  }
0xc: {  	[smem:$0x3FAF] =	sst s4  }
0xd: {  	[smem:$0x3FB0] =	sst s5  }
0xe: {  	[smem:$0x3FB1] =	sst s6  }
0xf: {  	[smem:$0x3FB2] =	sst s7  }
0x10: {  	[smem:$0x3FB3] =	sst s8  }
0x11: {  	[smem:$0x3FB4] =	sst s9;
	s0 =	simm.s32 @!p0 $0x0  }
0x12: {  	s1 =	sld [smem:$0x3F9A];
	s0 =	simm.s32 @p0 $0x1  }
0x13: {  	[smem:$0x3FB5] =	sst s0;
	s0 =	simm.s32 @!p1 $0x0  }
0x14: {  	s2 =	sld [smem:$0x3F99];
	s0 =	simm.s32 @p1 $0x1  }
0x15: {  	[smem:$0x3FB6] =	sst s0;
	s0 =	simm.s32 @!p2 $0x0  }
0x16: {  	s3 =	sld [smem:$0x3FDB];
	s0 =	simm.s32 @p2 $0x1  }
0x17: {  	s4 =	simm.s32 $0x1BF5;
	[smem:$0x3FB8] =	sst s0  }
0x18: {  	s0 =	sld [smem:$0x3F9B];
	_ =	swait.ge [sflag:s4], $0x0  }
0x19: {  	s7 =	sld [smem:$0x3F9C]  }
0x1a: {  	s8 =	sadd.s32 $0xFFFFE003, lr  }
0x1b: {  	s9 =	sadd.s32 $0xFFFFFEF7, lr;
	s5 =	simm.s32 $0xFFFFFFFF;
	p2 =	slt.u32 s8, $0xFFFFF086  }
0x1c: {  	p1 =	slt.u32 s9, $0xF7A;
	s5 =	simm.s32 @!p2 $0x0  }
0x1d: {  	s5 =	simm.s32 @p1 $0x1;
	p0 =	seq.s32 s7, s2  }
0x1e: {  	s7 =	smul.u32 @!p0 $0xF7A, s2;
	p2 =	seq.s32 @!p0 s5, $0x0  }
0x1f: {  	s9 =	smul.u32 $0xF7A, s1;
	s8 =	simm.s32 @!p0 $0x1BF5;
	p2 =	por !p2, p0  }
0x20: {  	[sflag:s8] =	ssyncset.s32 @!p0 $0xFFFFF086;
	s6 =	sadd.s32 @!p0 s3, s7;
	s7 =	simm.s32 @!p0 $0x108  }
0x21: {  	s3 =	sadd.s32 s3, s9;
	s6 =	sadd.s32 @!p0 $0x88, s6;
	s7 =	simm.s32 @p2 $0x1082  }
0x22: {  	[simem:s7], [sflag:s8] =	dma.local @!p0 [hbm:s6], $0xF7A  }
0x23: {  	s9 =	sor.u32 $0xD0000000, s2;
	s6 =	simm.s32 $0x108;
	_ =	swait.ge @!p0 [sflag:s8], $0x0  }
0x24: {  	s3 =	sadd.s32 $0x88, s3;
	s6 =	simm.s32 @!p1 $0x1082;
	[sflag:s4] =	ssyncset.s32 $0xFFFFF086  }
0x25: {  	[simem:s6], [sflag:s4] =	dma.local [hbm:s3], $0xF7A  }
0x26: {  	[smem:$0x3F9C] =	sst s1;
	(tag) =	ssettag s2;
	_ =	strace s9  }
0x27: {  	s1 =	sld [smem:$0x3FAC]  }
0x28: {  	s2 =	sld [smem:$0x3FAD]  }
0x29: {  	s4 =	sld [smem:$0x3FAF]  }
0x2a: {  	p0 =	seq.s32 s5, $0x0;
	s5 =	sld [smem:$0x3FB0]  }
0x2b: {  	s6 =	sld [smem:$0x3FB1]  }
0x2c: {  	s7 =	sld [smem:$0x3FB2]  }
0x2d: {  	s3 =	simm.s32 $0x108;
	s8 =	sld [smem:$0x3FB3]  }
0x2e: {  	s3 =	simm.s32 @!p0 $0x1082;
	s9 =	sld [smem:$0x3FB4]  }
0x2f: {  	lr =	sadd.s32 s0, s3;
	s0 =	sld [smem:$0x3FAB]  }
0x30: {  	s3 =	sld [smem:$0x3FAE]  }
0x31: {  	[smem:$0x3FB7] =	sst s10  }
0x32: {  	s10 =	sld [smem:$0x3FB5];
	_ =	sdelay $0x3  }
0x33: {  	p0 =	seq.s32 s10, $0x1;
	s10 =	sld [smem:$0x3FB7];
	_ =	sdelay $0x3  }
0x34: {  	[smem:$0x3FB7] =	sst s10  }
0x35: {  	s10 =	sld [smem:$0x3FB6];
	_ =	sdelay $0x3  }
0x36: {  	p1 =	seq.s32 s10, $0x1;
	s10 =	sld [smem:$0x3FB7];
	_ =	sdelay $0x3  }
0x37: {  	[smem:$0x3FB7] =	sst s10  }
0x38: {  	s10 =	sld [smem:$0x3FB8]  }
0x39: {  	_ = 	snop;
	(pc) =	sbr.ind lr, $3  }
0x3a: {  	_ = 	snop  }
0x3b: {  	_ = 	snop  }
0x3c: {  	p2 =	seq.s32 s10, $0x1;
	s10 =	sld [smem:$0x3FB7]  }
0x3d: {  	_ =	shalt  }
0x3e: {  	_ =	shalt  }
0x3f: {  	_ =	shalt  }
0x40: {  	_ =	shalt  }
0x41: {  	_ =	shalt  }
0x42: {  	_ =	shalt  }
0x43: {  	_ =	shalt  }
0x44: {  	_ =	shalt  }
0x45: {  	_ =	shalt  }
0x46: {  	_ =	shalt  }
0x47: {  	_ =	shalt  }
0x48: {  	_ =	shalt  }
0x49: {  	_ =	shalt  }
0x4a: {  	_ =	shalt  }
0x4b: {  	_ =	shalt  }
0x4c: {  	_ =	shalt  }
0x4d: {  	_ =	shalt  }
0x4e: {  	_ =	shalt  }
0x4f: {  	_ =	shalt  }
0x50: {  	_ =	shalt  }
0x51: {  	_ =	shalt  }
0x52: {  	_ =	shalt  }
0x53: {  	_ =	shalt  }
0x54: {  	_ =	shalt  }
0x55: {  	_ =	shalt  }
0x56: {  	_ =	shalt  }
0x57: {  	_ =	shalt  }
0x58: {  	_ =	shalt  }
0x59: {  	_ =	shalt  }
0x5a: {  	_ =	shalt  }
0x5b: {  	_ =	shalt  }
0x5c: {  	_ =	shalt  }
0x5d: {  	_ =	shalt  }
0x5e: {  	_ =	shalt  }
0x5f: {  	_ =	shalt  }
0x60: {  	_ =	shalt  }
0x61: {  	_ =	shalt  }
0x62: {  	_ =	shalt  }
0x63: {  	_ =	shalt  }
0x64: {  	_ =	shalt  }
0x65: {  	_ =	shalt  }
0x66: {  	_ =	shalt  }
0x67: {  	_ =	shalt  }
0x68: {  	_ =	shalt  }
0x69: {  	_ =	shalt  }
0x6a: {  	_ =	shalt  }
0x6b: {  	_ =	shalt  }
0x6c: {  	_ =	shalt  }
0x6d: {  	_ =	shalt  }
0x6e: {  	_ =	shalt  }
0x6f: {  	_ =	shalt  }
0x70: {  	_ =	shalt  }
0x71: {  	_ =	shalt  }
0x72: {  	_ =	shalt  }
0x73: {  	_ =	shalt  }
0x74: {  	_ =	shalt  }
0x75: {  	_ =	shalt  }
0x76: {  	_ =	shalt  }
0x77: {  	_ =	shalt  }
0x78: {  	_ =	shalt  }
0x79: {  	_ =	shalt  }
0x7a: {  	_ =	shalt  }
0x7b: {  	_ =	shalt  }
0x7c: {  	_ =	shalt  }
0x7d: {  	_ =	shalt  }
0x7e: {  	_ =	shalt  }
0x7f: {  	_ =	shalt  }
0x80: {  	_ =	shalt  }
0x81: {  	_ =	shalt  }
0x82: {  	_ =	shalt  }
0x83: {  	_ =	shalt  }
0x84: {  	_ =	shalt  }
0x85: {  	_ =	shalt  }
0x86: {  	_ =	shalt  }
0x87: {  	_ =	shalt  }
.Lfunc_end0:
.L_simem_size_0:
called_computation.2_lowered:
.L_overlay_start_0:
0x88: {  	s2 =	sld [smem:$0x3FD9]  }
0x89: {  	s3 =	sld [smem:$0x3FFE];
	_ =	sdelay $0x1  }
0x8a: {  	s1 =	srdreg.scid  }
0x8b: {  	s0 =	sand.u32 $0x1, s1  }
0x8c: {  	s14 =	sshll.u32 s0, $0xA;
	s2 =	sadd.s32 s3, s2  }
0x8d: {  	s2 =	sadd.s32 s2, s14  }
0x8e: {  	[smem:$0x3FC3] =	sst s2  }
0x8f: {  	_ = 	snop  }
0x90: {  	s2 =	sld [smem:$0x3FD0];
	_ =	sdelay $0x2  }
0x91: {  	s15 =	simm.s32 $0xA;
	s4 =	simm.s32 $0x10  }
0x92: {  	[smem:s4], [sflag:s15] =	dma.local [hbm:s2], $0x1  }
0x93: {  	_ =	swait.eq [sflag:s15], $0x1  }
0x94: {  	[sflag:s15] =	ssyncset.done $0x0  }
0x95: {  	[sflag:s15] =	ssyncadd.s32 $0xFFFFFFFF  }
0x96: {  	s16 =	sld [smem:$0x11];
	(tm) =	ssettm $0x1  }
0x97: {  	s17 =	sld [smem:$0x3FFB];
	_ =	sdelay $0x3  }
0x98: {  	_ =	strace s17  }
0x99: {  	s3 =	sld [smem:$0x3FFC];
	_ =	sdelay $0x3  }
0x9a: {  	_ =	strace s3  }
0x9b: {  	s3 =	sld [smem:$0x3FFD];
	_ =	sdelay $0x3  }
0x9c: {  	_ =	strace s3  }
0x9d: {  	_ =	strace $0x8FFFFFFF  }
0x9e: {  	s18 =	sld [smem:$0x3FDB];
	_ =	sdelay $0x1  }
0x9f: {  	s19 =	simm.s32 $_scs_section_size  }
0xa0: {  	s5 =	simm.s32 $_size__tile_overlayer_lowered;
	s6 =	simm.s32 $_tile_overlayer_lowered  }
0xa1: {  	s22 =	simm.s32 $0x1BFF;
	s21 =	sshll.u32 s6, $0x1;
	s3 =	sadd.s32 s19, s18  }
0xa2: {  	s7 =	simm.s32 $0x0;
	s20 =	sshll.u32 s5, $0x1;
	s5 =	sadd.s32 s21, s3  }
0xa3: {  	[timem:s7], [sflag:s22] =	dma.local [hbm:s5], s20  }
0xa4: {  	_ =	swait.ge [sflag:s22], s20  }
0xa5: {  	s4 =	ssub.s32 $0x0, s20;
	[sflag:s22] =	ssyncset.done $0x0  }
0xa6: {  	[sflag:s22] =	ssyncadd.s32 s4;
	_ =	sdelay $0x1  }
0xa7: {  	s23 =	simm.s32 $0x1B8B  }
0xa8: {  	_ =	swait.ge [sflag:s23], $0x1  }
0xa9: {  	[sflag:s23] =	ssyncset.done $0x0  }
0xaa: {  	s25 =	simm.s32 $0x1B8E;
	s24 =	sld [smem:$0x3FFE];
	[sflag:s23] =	ssyncadd.s32 $0xFFFFFFFF  }
0xab: {  	s26 =	simm.s32 $execute0_lowered;
	[smem:$0x3FD2] =	sst s25  }
0xac: {  	s5 =	sshll.u32 s26, $0x1;
	_ =	strace $0x80000049;
	[dreg:$0x1] =	wrdreg $0xFFFFFFFF  }
0xad: {  	s28 =	simm.s32 $_size_execute0_lowered;
	s3 =	sadd.s32 s3, s5;
	[dreg:$0x0] =	wrdreg $0x0  }
0xae: {  	s5 =	sshll.u32 s28, $0x1;
	[dreg:$0x2] =	wrdreg s3  }
0xaf: {  	[dreg:$0x3] =	wrdreg s5  }
0xb0: {  	[dreg:$0x4] =	wrdreg $0xC0  }
0xb1: {  	_ =	task [dreg:s7], $0x5FFFF  }
0xb2: {  	[dreg:$0x1] =	wrdreg $0xFFFFFFFF  }
0xb3: {  	[dreg:$0x0] =	wrdreg $0x60  }
0xb4: {  	[dreg:$0x2] =	wrdreg s16  }
0xb5: {  	[dreg:$0x3] =	wrdreg s24  }
0xb6: {  	[dreg:$0x4] =	wrdreg $0x9  }
0xb7: {  	_ =	task.clear_ibuf [dreg:s7], $0x5FFFF;
	_ =	strace $0x90000049  }
0xb8: {  	s29 =	simm.s32 $0x9;
	_ =	strace $0x8000004B  }
0xb9: {  	_ =	swait.ge [sflag:s29], $0x1  }
0xba: {  	[sflag:s29] =	ssyncadd.s32 $0xFFFFFFFF  }
0xbb: {  	_ =	strace $0x9000004B  }
0xbc: {  	_ =	sfence  }
0xbd: {  	s30 =	sld [smem:$0x0];
	_ =	sdelay $0x2  }
0xbe: {  	s31 =	sshll.u32 s1, $0xD;
	s1 =	sshrl.u32 s1, $0x2  }
0xbf: {  	s3 =	sand.u32 $0x4000, s31;
	s1 =	sadd.s32 s1, s30  }
0xc0: {  	s0 =	sor.u32 s3, s0;
	s1 =	sshll.u32 s1, $0x11  }
0xc1: {  	s0 =	sor.u32 s1, s0  }
0xc2: {  	s0 =	sadd.s32 $0x8F2B, s0  }
0xc3: {  	[sflag:s0] =	ssyncadd.remote.s32 $0x1  }
0xc4: {  	_ =	sfence.sel $0xFFFF  }
0xc5: {  	[dreg:$0x0] =	wrdreg $0xFFFFFFFF;
	(pc) =	sbr.abs _section_cstart, $3  }
0xc6: {  	[dreg:$0x1] =	wrdreg $0xFFFFFFFF  }
0xc7: {  	_ =	task.clear_ibuf [dreg:s7], $0x2FFFF;
	_ =	strace $0x9FFFFFFF  }
0xc8: {  	(tm) =	ssettm $0x7FFFFFFF  }
0xc9: {  	_ =	shalt  }
tec
execute0_lowered:
.L_overlay_start_1:
0x0: {  	(tag) =	ssettag $0x1  }
0x1: {  	s0 =	rddreg [dreg:$0x0]  }
0x2: {  	s1 =	rddreg [dreg:$0x1]  }
0x3: {  	s2 =	srdreg.scid;
	s9 =	stileid.u32;
	s4 =	simm.s32 $0x0  }
0x4: {  	s28 =	simm.s32 $0x1;
	s29 =	simm.s32 $0x40;
	s2 =	sand.u32 $0x1, s2  }
0x5: {  	s3 =	sshll.u32 s9, $0x1;
	[smem:$0x7FF] =	sst s4;
	s14 =	smul.u32 $0x190, s9  }
0x6: {  	s11 =	sor.u32 s2, s3;
	s5 =	ssub.s32 $0x2, s2;
	s2 =	smul.u32 $0xC8, s2  }
0x7: {  	s10 =	sadd.s32 $0x1400, s1;
	_ =	strace $0x8000004A;
	s6 =	smul.u32 $0xC80, s11  }
0x8: {  	s3 =	sadd.s32 $0xF43A00, s1;
	s7 =	sshrl.u32 s5, $0x1;
	s8 =	smul.u32 $0x64000, s11  }
0x9: {  	[dreg:$0x3] =	wrdreg s10;
	s4 =	smul.u32 $0x320000, s11;
	s12 =	ssub.s32 s5, s7  }
0xa: {  	s5 =	simm.s32 $0x4;
	s7 =	simm.s32 $0x0;
	s0 =	sadd.s32 s0, s6  }
0xb: {  	s13 =	sadd.s32 s10, s8;
	s4 =	sshrl.u32 s4, $0x3;
	[dreg:$0x4] =	wrdreg s0  }
0xc: {  	s1 =	smax.u32 s12, $0x1;
	s8 =	simm.s32 $0x5;
	[dreg:$0x5] =	wrdreg s13  }
0xd: {  	s12 =	simm.s32 $0x7;
	s15 =	sadd.s32 $0x800, s13;
	[dreg:$0xe] =	wrdreg s1  }
0xe: {  	s6 =	simm.s32 $0xB;
	s16 =	sadd.s32 $0x1000, s13;
	[dreg:$0x6] =	wrdreg s15  }
0xf: {  	s17 =	sadd.s32 $0x1800, s13;
	s18 =	sadd.s32 $0x2000, s13;
	[dreg:$0x7] =	wrdreg s16  }
0x10: {  	s19 =	sadd.s32 $0x2800, s13;
	s20 =	sadd.s32 $0x3000, s13;
	[dreg:$0x8] =	wrdreg s17  }
0x11: {  	s0 =	sadd.s32 s2, s14;
	s21 =	sadd.s32 $0x3800, s13;
	[dreg:$0x9] =	wrdreg s18  }
0x12: {  	s22 =	sadd.s32 s10, s4;
	s1 =	simm.s32 $0x3;
	[dreg:$0xa] =	wrdreg s19  }
0x13: {  	s10 =	simm.s32 $0x6;
	s14 =	simm.s32 $0x8;
	[dreg:$0xb] =	wrdreg s20  }
0x14: {  	s4 =	simm.s32 $0x9;
	[dreg:$0xc] =	wrdreg s21;
	s0 =	sshll.u32 s0, $0xB  }
0x15: {  	s2 =	sadd.s32 $0x4000, s22;
	s15 =	simm.s32 $0x18400;
	s17 =	simm.s32 $0xD  }
0x16: {  	s18 =	simm.s32 $0xE;
	[dreg:$0xd] =	wrdreg s2;
	s23 =	sadd.s32 $0x4000, s0  }
0x17: {  	s19 =	simm.s32 $0xF;
	s24 =	sadd.s32 $0x5000, s0;
	[dreg:$0xf] =	wrdreg s23  }
0x18: {  	s20 =	simm.s32 $0x10;
	s25 =	sadd.s32 $0x9000, s0;
	[dreg:$0x10] =	wrdreg s24  }
0x19: {  	s21 =	simm.s32 $0x11;
	s26 =	sadd.s32 $0x8800, s0;
	[dreg:$0x11] =	wrdreg s25  }
.Ltmp0:
0x1a: {  	s30 =	sadd.s32 $0x8000, s0;
	[dreg:$0x12] =	wrdreg s26;
	(pc) =	sbr.rel .LBB2_1-.Ltmp0, $4  }
0x1b: {  	s22 =	simm.s32 $0x12;
	s31 =	sadd.s32 $0x7000, s0;
	[dreg:$0x13] =	wrdreg s30  }
0x1c: {  	s16 =	simm.s32 $0x13;
	s0 =	sadd.s32 $0x6000, s0;
	[dreg:$0x14] =	wrdreg s31  }
0x1d: {  	[dreg:$0x15] =	wrdreg s0;
	s24 =	simm.s32 $0x80;
	s0 =	simm.s32 $0x2  }
0x1e: {  	s23 =	simm.s32 $0xA;
	s25 =	simm.s32 $0xC;
	s26 =	simm.s32 $0x14  }
.LBB2_4:
0x1f: {  	_ =	swait.ge [sflag:s17], $0x2000  }
0x20: {  	[sflag:s17] =	ssyncset.done $0x0  }
0x21: {  	[sflag:s17] =	ssyncadd.s32 $0xFFFFE000  }
0x22: {  	_ =	swait.ge [sflag:s18], $0x2000  }
0x23: {  	[sflag:s18] =	ssyncset.done $0x0  }
0x24: {  	[sflag:s18] =	ssyncadd.s32 $0xFFFFE000  }
0x25: {  	_ =	swait.ge [sflag:s19], $0x2000  }
0x26: {  	[sflag:s19] =	ssyncset.done $0x0  }
0x27: {  	[sflag:s19] =	ssyncadd.s32 $0xFFFFE000  }
0x28: {  	_ =	swait.ge [sflag:s20], $0x2000  }
0x29: {  	[sflag:s20] =	ssyncset.done $0x0  }
0x2a: {  	[sflag:s20] =	ssyncadd.s32 $0xFFFFE000  }
0x2b: {  	_ =	swait.ge [sflag:s21], $0x2000  }
0x2c: {  	[sflag:s21] =	ssyncset.done $0x0  }
0x2d: {  	[sflag:s21] =	ssyncadd.s32 $0xFFFFE000  }
0x2e: {  	_ =	swait.ge [sflag:s22], $0x2000  }
0x2f: {  	[sflag:s22] =	ssyncset.done $0x0  }
0x30: {  	[sflag:s22] =	ssyncadd.s32 $0xFFFFE000  }
0x31: {  	_ =	swait.ge [sflag:s16], $0x2000  }
0x32: {  	[sflag:s16] =	ssyncset.done $0x0  }
0x33: {  	[sflag:s16] =	ssyncadd.s32 $0xFFFFE000  }
0x34: {  	_ =	swait.ge [sflag:s26], $0x2000  }
0x35: {  	s7 =	rddreg [dreg:$0x16]  }
0x36: {  	s2 =	rddreg [dreg:$0xe];
	s7 =	sadd.s32 $0x1, s7  }
0x37: {  	p0 =	sne.s32 s7, s2  }
.Ltmp1:
0x38: {  	_ = 	snop;
	(pc) =	sbr.rel @!p0 .LBB2_5-.Ltmp1, $3  }
0x39: {  	_ =	sdelay $0x1  }
0x3a: {  	[sflag:s26] =	ssyncset.done $0x0  }
0x3b: {  	[sflag:s26] =	ssyncadd.s32 $0xFFFFE000  }
.LBB2_1:
0x3c: {  	[dreg:$0x16] =	wrdreg s7  }
0x3d: {  	s2 =	simm.s32 $0x0;
	s13 =	rddreg [dreg:$0x4];
	s9 =	simm.s32 $0x15  }
0x3e: {  	[tilespmem:s2], [sflag:$0x15] =	stream.linear.gather [hbm4b:s13+s2], $0x6400, $0x38;
	[tilespmem:$0x1A400] =	vst v63  }
0x3f: {  	_ =	swait.ge [sflag:s9], $0x6400  }
0x40: {  	[sflag:s9] =	ssyncset.done $0x0  }
0x41: {  	s11 =	simm.s32 $0x6400;
	[sflag:s9] =	ssyncadd.s32 $0xFFFF9C00  }
0x42: {  	[tilespmem:s11], [sflag:$0x1] =	stream.indirect.gather [hbm4b:s3+s24], $0x40, s2, s24, $0xb8;
	[tilespmem:$0x1A400] =	vst v63  }
0x43: {  	s9 =	simm.s32 $0x8400  }
0x44: {  	[tilespmem:s9], [sflag:$0x2] =	stream.indirect.gather [hbm4b:s3+s24], $0x40, s24, s24, $0xb8;
	[tilespmem:$0x1A400] =	vst v63  }
0x45: {  	_ =	swait.ge [sflag:s28], $0x2000  }
0x46: {  	[sflag:s28] =	ssyncset.done $0x0  }
0x47: {  	s13 =	rddreg [dreg:$0x5];
	[sflag:s28] =	ssyncadd.s32 $0xFFFFE000  }
0x48: {  	[hbm4b:s13+s29] =	stream.strided.scatter [tilespmem:s11], [sflag:$0xB], $0x2000, s24, s29, $0x38;
	[tilespmem:$0x1A400] =	vst v63  }
0x49: {  	s7 =	simm.s32 $0xA400;
	s11 =	simm.s32 $0x100  }
0x4a: {  	[tilespmem:s7], [sflag:$0x3] =	stream.indirect.gather [hbm4b:s3+s24], $0x40, s11, s24, $0xb8;
	[tilespmem:$0x1A400] =	vst v63  }
0x4b: {  	_ =	swait.ge [sflag:s0], $0x2000  }
0x4c: {  	[sflag:s0] =	ssyncset.done $0x0  }
0x4d: {  	s13 =	rddreg [dreg:$0x6];
	[sflag:s0] =	ssyncadd.s32 $0xFFFFE000  }
0x4e: {  	[hbm4b:s13+s29] =	stream.strided.scatter [tilespmem:s9], [sflag:$0xC], $0x2000, s24, s29, $0x38;
	[tilespmem:$0x1A400] =	vst v63  }
0x4f: {  	s11 =	simm.s32 $0x180;
	s9 =	simm.s32 $0xC400  }
0x50: {  	[tilespmem:s9], [sflag:$0x4] =	stream.indirect.gather [hbm4b:s3+s24], $0x40, s11, s24, $0xb8;
	[tilespmem:$0x1A400] =	vst v63  }
0x51: {  	_ =	swait.ge [sflag:s1], $0x2000  }
0x52: {  	[sflag:s1] =	ssyncset.done $0x0  }
0x53: {  	s13 =	rddreg [dreg:$0x7];
	[sflag:s1] =	ssyncadd.s32 $0xFFFFE000  }
0x54: {  	[hbm4b:s13+s29] =	stream.strided.scatter [tilespmem:s7], [sflag:$0xD], $0x2000, s24, s29, $0x38;
	[tilespmem:$0x1A400] =	vst v63  }
0x55: {  	s11 =	simm.s32 $0x200;
	s7 =	simm.s32 $0xE400  }
0x56: {  	[tilespmem:s7], [sflag:$0x5] =	stream.indirect.gather [hbm4b:s3+s24], $0x40, s11, s24, $0xb8;
	[tilespmem:$0x1A400] =	vst v63  }
0x57: {  	_ =	swait.ge [sflag:s5], $0x2000  }
0x58: {  	[sflag:s5] =	ssyncset.done $0x0  }
0x59: {  	s13 =	rddreg [dreg:$0x8];
	[sflag:s5] =	ssyncadd.s32 $0xFFFFE000  }
0x5a: {  	[hbm4b:s13+s29] =	stream.strided.scatter [tilespmem:s9], [sflag:$0xE], $0x2000, s24, s29, $0x38;
	[tilespmem:$0x1A400] =	vst v63  }
0x5b: {  	s11 =	simm.s32 $0x280;
	s9 =	simm.s32 $0x10400  }
0x5c: {  	[tilespmem:s9], [sflag:$0x6] =	stream.indirect.gather [hbm4b:s3+s24], $0x40, s11, s24, $0xb8;
	[tilespmem:$0x1A400] =	vst v63  }
0x5d: {  	_ =	swait.ge [sflag:s8], $0x2000  }
0x5e: {  	[sflag:s8] =	ssyncset.done $0x0  }
0x5f: {  	s13 =	rddreg [dreg:$0x9];
	[sflag:s8] =	ssyncadd.s32 $0xFFFFE000  }
0x60: {  	[hbm4b:s13+s29] =	stream.strided.scatter [tilespmem:s7], [sflag:$0xF], $0x2000, s24, s29, $0x38;
	[tilespmem:$0x1A400] =	vst v63  }
0x61: {  	s11 =	simm.s32 $0x300;
	s7 =	simm.s32 $0x12400  }
0x62: {  	[tilespmem:s7], [sflag:$0x7] =	stream.indirect.gather [hbm4b:s3+s24], $0x40, s11, s24, $0xb8;
	[tilespmem:$0x1A400] =	vst v63  }
0x63: {  	_ =	swait.ge [sflag:s10], $0x2000  }
0x64: {  	[sflag:s10] =	ssyncset.done $0x0  }
0x65: {  	s13 =	rddreg [dreg:$0xa];
	[sflag:s10] =	ssyncadd.s32 $0xFFFFE000  }
0x66: {  	[hbm4b:s13+s29] =	stream.strided.scatter [tilespmem:s9], [sflag:$0x10], $0x2000, s24, s29, $0x38;
	[tilespmem:$0x1A400] =	vst v63  }
0x67: {  	s11 =	simm.s32 $0x380;
	s9 =	simm.s32 $0x14400  }
0x68: {  	[tilespmem:s9], [sflag:$0x8] =	stream.indirect.gather [hbm4b:s3+s24], $0x40, s11, s24, $0xb8;
	[tilespmem:$0x1A400] =	vst v63  }
0x69: {  	_ =	swait.ge [sflag:s12], $0x2000  }
0x6a: {  	[sflag:s12] =	ssyncset.done $0x0  }
0x6b: {  	s13 =	rddreg [dreg:$0xb];
	[sflag:s12] =	ssyncadd.s32 $0xFFFFE000  }
0x6c: {  	[hbm4b:s13+s29] =	stream.strided.scatter [tilespmem:s7], [sflag:$0x11], $0x2000, s24, s29, $0x38;
	[tilespmem:$0x1A400] =	vst v63  }
0x6d: {  	s11 =	simm.s32 $0x400;
	s7 =	simm.s32 $0x16400  }
0x6e: {  	[tilespmem:s7], [sflag:$0x9] =	stream.indirect.gather [hbm4b:s3+s24], $0x40, s11, s24, $0xb8;
	[tilespmem:$0x1A400] =	vst v63  }
0x6f: {  	_ =	swait.ge [sflag:s14], $0x2000  }
0x70: {  	[sflag:s14] =	ssyncset.done $0x0  }
0x71: {  	s13 =	rddreg [dreg:$0xc];
	[sflag:s14] =	ssyncadd.s32 $0xFFFFE000  }
0x72: {  	[hbm4b:s13+s29] =	stream.strided.scatter [tilespmem:s9], [sflag:$0x12], $0x2000, s24, s29, $0x38;
	[tilespmem:$0x1A400] =	vst v63  }
0x73: {  	s11 =	simm.s32 $0x480  }
0x74: {  	[tilespmem:s15], [sflag:$0xA] =	stream.indirect.gather [hbm4b:s3+s24], $0x40, s11, s24, $0xb8;
	[tilespmem:$0x1A400] =	vst v63  }
0x75: {  	_ =	swait.ge [sflag:s4], $0x2000  }
0x76: {  	[sflag:s4] =	ssyncset.done $0x0;
	s13 =	rddreg [dreg:$0xd]  }
0x77: {  	s30 =	simm.s32 $0x0;
	s31 =	rddreg [dreg:$0x3];
	[sflag:s4] =	ssyncadd.s32 $0xFFFFE000  }
0x78: {  	[hbm4b:s13+s29] =	stream.strided.scatter [tilespmem:s7], [sflag:$0x13], $0x2000, s24, s29, $0x38;
	[tilespmem:$0x1A400] =	vst v63  }
.LBB2_2:
0x79: {  	_ =	swait.ge [sflag:s6], $0x2000;
	p0 =	seq.s32 s30, $0x17C00  }
0x7a: {  	[sflag:s6] =	ssyncset.done $0x0;
	s2 =	sshra.s32 @!p0 s30, $0x2;
	s7 =	simm.s32 @!p0 $0x80  }
0x7b: {  	s9 =	simm.s32 @!p0 $0x6400;
	[sflag:s6] =	ssyncadd.s32 $0xFFFFE000;
	s2 =	sadd.s32 @!p0 $0x500, s2  }
0x7c: {  	[tilespmem:s9], [sflag:$0x1] =	stream.indirect.gather @!p0 [hbm4b:s3+s7], $0x40, s2, s7, $0xb8;
	[tilespmem:$0x1A400] =	vst v63  }
0x7d: {  	_ =	swait.ge [sflag:s23], $0x2000  }
0x7e: {  	s13 =	rddreg [dreg:$0xf]  }
0x7f: {  	[sflag:s23] =	ssyncset.done $0x0;
	s7 =	sadd.s32 s31, s13  }
.Ltmp2:
0x80: {  	[sflag:s23] =	ssyncadd.s32 $0xFFFFE000;
	s2 =	sadd.s32 $0x800, s7;
	(pc) =	sbr.rel @p0 .LBB2_4-.Ltmp2, $4  }
0x81: {  	[hbm4b:s2+s29] =	stream.strided.scatter [tilespmem:s15], [sflag:$0x14], $0x2000, s24, s29, $0x38;
	[tilespmem:$0x1A400] =	vst v63  }
0x82: {  	_ =	swait.ge [sflag:s25], $0x2000  }
0x83: {  	[sflag:s25] =	ssyncset.done $0x0  }
0x84: {  	[sflag:s25] =	ssyncadd.s32 $0xFFFFE000  }
0x85: {  	s2 =	sshra.s32 s30, $0x2  }
0x86: {  	s13 =	simm.s32 $0x8400;
	s9 =	sadd.s32 $0x580, s2  }
0x87: {  	[tilespmem:s13], [sflag:$0x2] =	stream.indirect.gather [hbm4b:s3+s24], $0x40, s9, s24, $0xb8;
	[tilespmem:$0x1A400] =	vst v63  }
0x88: {  	_ =	swait.ge [sflag:s28], $0x2000  }
0x89: {  	[sflag:s28] =	ssyncset.done $0x0;
	s11 =	rddreg [dreg:$0x10]  }
0x8a: {  	[sflag:s28] =	ssyncadd.s32 $0xFFFFE000;
	s9 =	sadd.s32 s31, s11;
	s11 =	simm.s32 $0x6400  }
0x8b: {  	[hbm4b:s9+s29] =	stream.strided.scatter [tilespmem:s11], [sflag:$0xB], $0x2000, s24, s29, $0x38;
	[tilespmem:$0x1A400] =	vst v63  }
0x8c: {  	_ =	swait.ge [sflag:s17], $0x2000  }
0x8d: {  	[sflag:s17] =	ssyncset.done $0x0  }
0x8e: {  	s9 =	sadd.s32 $0x600, s2;
	s11 =	simm.s32 $0xA400;
	[sflag:s17] =	ssyncadd.s32 $0xFFFFE000  }
0x8f: {  	[tilespmem:s11], [sflag:$0x3] =	stream.indirect.gather [hbm4b:s3+s24], $0x40, s9, s24, $0xb8;
	[tilespmem:$0x1A400] =	vst v63  }
0x90: {  	_ =	swait.ge [sflag:s0], $0x2000  }
0x91: {  	[sflag:s0] =	ssyncset.done $0x0  }
0x92: {  	s9 =	sadd.s32 $0x1800, s7;
	[sflag:s0] =	ssyncadd.s32 $0xFFFFE000  }
0x93: {  	[hbm4b:s9+s29] =	stream.strided.scatter [tilespmem:s13], [sflag:$0xC], $0x2000, s24, s29, $0x38;
	[tilespmem:$0x1A400] =	vst v63  }
0x94: {  	_ =	swait.ge [sflag:s18], $0x2000  }
0x95: {  	[sflag:s18] =	ssyncset.done $0x0  }
0x96: {  	s9 =	sadd.s32 $0x680, s2;
	s13 =	simm.s32 $0xC400;
	[sflag:s18] =	ssyncadd.s32 $0xFFFFE000  }
0x97: {  	[tilespmem:s13], [sflag:$0x4] =	stream.indirect.gather [hbm4b:s3+s24], $0x40, s9, s24, $0xb8;
	[tilespmem:$0x1A400] =	vst v63  }
0x98: {  	_ =	swait.ge [sflag:s1], $0x2000  }
0x99: {  	[sflag:s1] =	ssyncset.done $0x0;
	s9 =	rddreg [dreg:$0x15]  }
0x9a: {  	[sflag:s1] =	ssyncadd.s32 $0xFFFFE000;
	s9 =	sadd.s32 s31, s9  }
0x9b: {  	[hbm4b:s9+s29] =	stream.strided.scatter [tilespmem:s11], [sflag:$0xD], $0x2000, s24, s29, $0x38;
	[tilespmem:$0x1A400] =	vst v63  }
0x9c: {  	_ =	swait.ge [sflag:s19], $0x2000  }
0x9d: {  	[sflag:s19] =	ssyncset.done $0x0  }
0x9e: {  	s9 =	sadd.s32 $0x700, s2;
	s11 =	simm.s32 $0xE400;
	[sflag:s19] =	ssyncadd.s32 $0xFFFFE000  }
0x9f: {  	[tilespmem:s11], [sflag:$0x5] =	stream.indirect.gather [hbm4b:s3+s24], $0x40, s9, s24, $0xb8;
	[tilespmem:$0x1A400] =	vst v63  }
0xa0: {  	_ =	swait.ge [sflag:s5], $0x2000  }
0xa1: {  	[sflag:s5] =	ssyncset.done $0x0  }
0xa2: {  	s9 =	sadd.s32 $0x2800, s7;
	[sflag:s5] =	ssyncadd.s32 $0xFFFFE000  }
0xa3: {  	[hbm4b:s9+s29] =	stream.strided.scatter [tilespmem:s13], [sflag:$0xE], $0x2000, s24, s29, $0x38;
	[tilespmem:$0x1A400] =	vst v63  }
0xa4: {  	_ =	swait.ge [sflag:s20], $0x2000  }
0xa5: {  	[sflag:s20] =	ssyncset.done $0x0  }
0xa6: {  	s9 =	sadd.s32 $0x780, s2;
	s13 =	simm.s32 $0x10400;
	[sflag:s20] =	ssyncadd.s32 $0xFFFFE000  }
0xa7: {  	[tilespmem:s13], [sflag:$0x6] =	stream.indirect.gather [hbm4b:s3+s24], $0x40, s9, s24, $0xb8;
	[tilespmem:$0x1A400] =	vst v63  }
0xa8: {  	_ =	swait.ge [sflag:s8], $0x2000  }
0xa9: {  	[sflag:s8] =	ssyncset.done $0x0;
	s9 =	rddreg [dreg:$0x14]  }
0xaa: {  	[sflag:s8] =	ssyncadd.s32 $0xFFFFE000;
	s9 =	sadd.s32 s31, s9  }
0xab: {  	[hbm4b:s9+s29] =	stream.strided.scatter [tilespmem:s11], [sflag:$0xF], $0x2000, s24, s29, $0x38;
	[tilespmem:$0x1A400] =	vst v63  }
0xac: {  	_ =	swait.ge [sflag:s21], $0x2000  }
0xad: {  	[sflag:s21] =	ssyncset.done $0x0  }
0xae: {  	s9 =	sadd.s32 $0x800, s2;
	s11 =	simm.s32 $0x12400;
	[sflag:s21] =	ssyncadd.s32 $0xFFFFE000  }
0xaf: {  	[tilespmem:s11], [sflag:$0x7] =	stream.indirect.gather [hbm4b:s3+s24], $0x40, s9, s24, $0xb8;
	[tilespmem:$0x1A400] =	vst v63  }
0xb0: {  	_ =	swait.ge [sflag:s10], $0x2000  }
0xb1: {  	[sflag:s10] =	ssyncset.done $0x0  }
0xb2: {  	s9 =	sadd.s32 $0x3800, s7;
	[sflag:s10] =	ssyncadd.s32 $0xFFFFE000  }
0xb3: {  	[hbm4b:s9+s29] =	stream.strided.scatter [tilespmem:s13], [sflag:$0x10], $0x2000, s24, s29, $0x38;
	[tilespmem:$0x1A400] =	vst v63  }
0xb4: {  	_ =	swait.ge [sflag:s22], $0x2000  }
0xb5: {  	[sflag:s22] =	ssyncset.done $0x0  }
0xb6: {  	s13 =	sadd.s32 $0x880, s2;
	s9 =	simm.s32 $0x14400;
	[sflag:s22] =	ssyncadd.s32 $0xFFFFE000  }
0xb7: {  	[tilespmem:s9], [sflag:$0x8] =	stream.indirect.gather [hbm4b:s3+s24], $0x40, s13, s24, $0xb8;
	[tilespmem:$0x1A400] =	vst v63  }
0xb8: {  	_ =	swait.ge [sflag:s12], $0x2000  }
0xb9: {  	[sflag:s12] =	ssyncset.done $0x0;
	s13 =	rddreg [dreg:$0x13]  }
0xba: {  	[sflag:s12] =	ssyncadd.s32 $0xFFFFE000;
	s7 =	sadd.s32 s31, s13  }
0xbb: {  	[hbm4b:s7+s29] =	stream.strided.scatter [tilespmem:s11], [sflag:$0x11], $0x2000, s24, s29, $0x38;
	[tilespmem:$0x1A400] =	vst v63  }
0xbc: {  	_ =	swait.ge [sflag:s16], $0x2000  }
0xbd: {  	[sflag:s16] =	ssyncset.done $0x0  }
0xbe: {  	s13 =	sadd.s32 $0x900, s2;
	s11 =	simm.s32 $0x16400;
	[sflag:s16] =	ssyncadd.s32 $0xFFFFE000  }
0xbf: {  	[tilespmem:s11], [sflag:$0x9] =	stream.indirect.gather [hbm4b:s3+s24], $0x40, s13, s24, $0xb8;
	[tilespmem:$0x1A400] =	vst v63  }
0xc0: {  	_ =	swait.ge [sflag:s14], $0x2000  }
0xc1: {  	[sflag:s14] =	ssyncset.done $0x0;
	s13 =	rddreg [dreg:$0x12]  }
0xc2: {  	[sflag:s14] =	ssyncadd.s32 $0xFFFFE000;
	s7 =	sadd.s32 s31, s13  }
0xc3: {  	[hbm4b:s7+s29] =	stream.strided.scatter [tilespmem:s9], [sflag:$0x12], $0x2000, s24, s29, $0x38;
	[tilespmem:$0x1A400] =	vst v63  }
0xc4: {  	_ =	swait.ge [sflag:s26], $0x2000  }
0xc5: {  	[sflag:s26] =	ssyncset.done $0x0  }
0xc6: {  	s2 =	sadd.s32 $0x980, s2;
	[sflag:s26] =	ssyncadd.s32 $0xFFFFE000  }
0xc7: {  	[tilespmem:s15], [sflag:$0xA] =	stream.indirect.gather [hbm4b:s3+s24], $0x40, s2, s24, $0xb8;
	[tilespmem:$0x1A400] =	vst v63  }
.Ltmp3:
0xc8: {  	_ = 	snop;
	(pc) =	sbr.rel .LBB2_2-.Ltmp3, $4  }
0xc9: {  	_ =	swait.ge [sflag:s4], $0x2000  }
0xca: {  	s30 =	sadd.s32 $0x1400, s30;
	[sflag:s4] =	ssyncset.done $0x0;
	s13 =	rddreg [dreg:$0x11]  }
0xcb: {  	[sflag:s4] =	ssyncadd.s32 $0xFFFFE000;
	s2 =	sadd.s32 s31, s13;
	s31 =	sadd.s32 $0x5000, s31  }
0xcc: {  	[hbm4b:s2+s29] =	stream.strided.scatter [tilespmem:s11], [sflag:$0x13], $0x2000, s24, s29, $0x38;
	[tilespmem:$0x1A400] =	vst v63  }
.LBB2_5:
0xcd: {  	_ =	sfence.sel $0x180000  }
0xce: {  	[bflag:$0x0] =	sbarrier.arrive $0xFFFF  }
0xcf: {  	_ =	strace $0x9000004A  }
0xd0: {  	s0 =	stileid.u32;
	[bflag:$0x2] =	sbarrier.arrive $0xFFFF  }
0xd1: {  	p0 =	sne.s32 s0, $0x0;
	s0 =	rddreg [dreg:$0x2]  }
0xd2: {  	s0 =	sadd.s32 @!p0 $0x100000, s0  }
0xd3: {  	[sflag:s0] =	ssyncadd.tile.s32 @!p0 $0x1;
	_ =	shalt  }
.Lfunc_end2:
_tile_overlayer_lowered:
.L_overlay_start_2:
0xd4: {  	(tag) =	ssettag $0x2  }
0xd5: {  	s0 =	rddreg [dreg:$0x0];
	s2 =	stileid.u32  }
0xd6: {  	s1 =	rddreg [dreg:$0x1];
	p0 =	sne.s32 s2, $0x0  }
0xd7: {  	s3 =	rddreg [dreg:$0x2];
	[bflag:$0x3] =	sbarrier.arrive $0xFFFF;
	s2 =	simm.s32 @!p0 $0x1C15  }
0xd8: {  	[timem:s3], [sflag:s2] =	dma.local @!p0 [hbm:s0], s1  }
0xd9: {  	s0 =	simm.s32 @!p0 $0x15  }
0xda: {  	_ =	swait.ge @!p0 [sflag:s0], s1  }
0xdb: {  	s1 =	ssub.s32 @!p0 $0x0, s1;
	[sflag:s0] =	ssyncset.done @!p0 $0x0  }
0xdc: {  	[sflag:s0] =	ssyncadd.s32 @!p0 s1  }
0xdd: {  	[bflag:$0x3] =	sbarrier.arrive $0xFFFF  }
0xde: {  	_ =	shalt  }

// kernel: sparse-core-data-format-call.1.cloned.1.call-start
scs
called_computation.1_lowered:
.L_overlay_start_0:
0x0: {  	s2 =	sld [smem:$0x3FD9]  }
0x1: {  	s3 =	sld [smem:$0x3FFE];
	_ =	sdelay $0x1  }
0x2: {  	s1 =	srdreg.scid  }
0x3: {  	s0 =	sand.u32 $0x1, s1  }
0x4: {  	s18 =	sshll.u32 s0, $0xA;
	s2 =	sadd.s32 s3, s2  }
0x5: {  	s2 =	sadd.s32 s2, s18  }
0x6: {  	[smem:$0x3FC3] =	sst s2  }
0x7: {  	_ = 	snop  }
0x8: {  	s2 =	sld [smem:$0x3FC5];
	(tm) =	ssettm $0x1  }
0x9: {  	s19 =	sld [smem:$0x3FFB];
	_ =	sdelay $0x3  }
0xa: {  	_ =	strace s19  }
0xb: {  	s3 =	sld [smem:$0x3FFC];
	_ =	sdelay $0x3  }
0xc: {  	_ =	strace s3  }
0xd: {  	s3 =	sld [smem:$0x3FFD];
	_ =	sdelay $0x3  }
0xe: {  	_ =	strace s3  }
0xf: {  	_ =	strace $0x8FFFFFFF  }
0x10: {  	s20 =	sld [smem:$0x3FDB];
	_ =	sdelay $0x1  }
0x11: {  	s4 =	simm.s32 $_scs_section_size  }
0x12: {  	s5 =	simm.s32 $_size__tile_overlayer_lowered;
	s6 =	simm.s32 $_tile_overlayer_lowered  }
0x13: {  	s23 =	simm.s32 $0x1BFF;
	s22 =	sshll.u32 s6, $0x1;
	s3 =	sadd.s32 s4, s20  }
0x14: {  	s7 =	simm.s32 $0x0;
	s21 =	sshll.u32 s5, $0x1;
	s5 =	sadd.s32 s22, s3  }
0x15: {  	[timem:s7], [sflag:s23] =	dma.local [hbm:s5], s21  }
0x16: {  	_ =	swait.ge [sflag:s23], s21  }
0x17: {  	s4 =	ssub.s32 $0x0, s21;
	[sflag:s23] =	ssyncset.done $0x0  }
0x18: {  	[sflag:s23] =	ssyncadd.s32 s4;
	_ =	sdelay $0x1  }
0x19: {  	s24 =	simm.s32 $0x1B8B  }
0x1a: {  	_ =	swait.ge [sflag:s24], $0x1  }
0x1b: {  	[sflag:s24] =	ssyncset.done $0x0  }
0x1c: {  	s26 =	simm.s32 $0x1B8E;
	s25 =	sld [smem:$0x3FFE];
	[sflag:s24] =	ssyncadd.s32 $0xFFFFFFFF  }
0x1d: {  	s27 =	simm.s32 $execute0_lowered;
	[smem:$0x3FD2] =	sst s26  }
0x1e: {  	s5 =	sshll.u32 s27, $0x1;
	_ =	strace $0x80000046;
	[dreg:$0x1] =	wrdreg $0xFFFFFFFF  }
0x1f: {  	s28 =	simm.s32 $_size_execute0_lowered;
	s3 =	sadd.s32 s3, s5;
	[dreg:$0x0] =	wrdreg $0x0  }
0x20: {  	s5 =	sshll.u32 s28, $0x1;
	[dreg:$0x2] =	wrdreg s3  }
0x21: {  	[dreg:$0x3] =	wrdreg s5  }
0x22: {  	[dreg:$0x4] =	wrdreg $0xC0  }
0x23: {  	_ =	task [dreg:s7], $0x5FFFF  }
0x24: {  	[dreg:$0x1] =	wrdreg $0xFFFFFFFF  }
0x25: {  	[dreg:$0x0] =	wrdreg $0x60  }
0x26: {  	[dreg:$0x2] =	wrdreg s2  }
0x27: {  	[dreg:$0x3] =	wrdreg s25  }
0x28: {  	[dreg:$0x4] =	wrdreg $0x9  }
0x29: {  	_ =	task.clear_ibuf [dreg:s7], $0x5FFFF;
	_ =	strace $0x90000046  }
0x2a: {  	s29 =	simm.s32 $0x9;
	_ =	strace $0x80000048  }
0x2b: {  	_ =	swait.ge [sflag:s29], $0x1  }
0x2c: {  	[sflag:s29] =	ssyncadd.s32 $0xFFFFFFFF  }
0x2d: {  	_ =	strace $0x90000048  }
0x2e: {  	_ =	sfence  }
0x2f: {  	s30 =	sld [smem:$0x0];
	_ =	sdelay $0x2  }
0x30: {  	s31 =	sshll.u32 s1, $0xD;
	s1 =	sshrl.u32 s1, $0x2  }
0x31: {  	s3 =	sand.u32 $0x4000, s31;
	s1 =	sadd.s32 s1, s30  }
0x32: {  	s0 =	sor.u32 s3, s0;
	s1 =	sshll.u32 s1, $0x11  }
0x33: {  	s0 =	sor.u32 s1, s0  }
0x34: {  	s0 =	sadd.s32 $0x8F2B, s0  }
0x35: {  	[sflag:s0] =	ssyncadd.remote.s32 $0x1  }
0x36: {  	_ =	sfence.sel $0xFFFF  }
0x37: {  	[dreg:$0x0] =	wrdreg $0xFFFFFFFF;
	(pc) =	sbr.abs _section_cstart, $3  }
0x38: {  	[dreg:$0x1] =	wrdreg $0xFFFFFFFF  }
0x39: {  	_ =	task.clear_ibuf [dreg:s7], $0x2FFFF;
	_ =	strace $0x9FFFFFFF  }
0x3a: {  	(tm) =	ssettm $0x7FFFFFFF  }
0x3b: {  	_ =	shalt  }
tec
execute0_lowered:
.L_overlay_start_1:
0x0: {  	(tag) =	ssettag $0x1  }
0x1: {  	s0 =	srdreg.scid;
	s2 =	rddreg [dreg:$0x0]  }
0x2: {  	s5 =	rddreg [dreg:$0x1];
	s1 =	stileid.u32  }
0x3: {  	s4 =	simm.s32 $0x1;
	s6 =	simm.s32 $0x2;
	s15 =	simm.s32 $0x0  }
0x4: {  	p0 =	por $0x0, $0x0;
	s8 =	simm.s32 $0x80;
	s0 =	sshll.u32 s0, $0x4  }
0x5: {  	s14 =	simm.s32 $0x0;
	s9 =	simm.s32 $0x0;
	s3 =	sand.u32 $0x10, s0  }
.Ltmp0:
0x6: {  	s10 =	simm.s32 $0x0;
	s3 =	sor.u32 s1, s3;
	(pc) =	sbr.rel .LBB1_1-.Ltmp0, $4  }
0x7: {  	s0 =	rddreg [dreg:$0x2];
	_ =	strace $0x80000047;
	s3 =	sshll.u32 s3, $0x7  }
0x8: {  	s12 =	simm.s32 $0x0;
	[sflag:s4] =	ssyncpa.u1 $0x0;
	s7 =	ssub.s32 $0xF4200, s3  }
0x9: {  	s13 =	simm.s32 $0x0;
	[sflag:s6] =	ssyncpa.u1 $0x0;
	s6 =	sshrl.u32 s7, $0xC  }
0xa: {  	s5 =	sadd.s32 $0x1400, s5;
	s11 =	smov.u32 s3;
	s7 =	sadd.s32 $0x2, s6  }
.LBB1_5:
0xb: {  	p1 =	slt.u32 s13, $0x2  }
0xc: {  	s17 =	smov.u32 s15;
	p2 =	sgt.s32 @!p1 s15, $0xF41C8;
	s16 =	sshra.s32 @!p1 s15, $0x1F  }
0xd: {  	p3 =	sgt.s32 @!p1 s14, $0x40;
	s18 =	sshra.s32 @!p1 s14, $0x1F;
	p2 =	por !p2, p1  }
0xe: {  	s15 =	sand.u32 @!p1 s16, s15;
	p3 =	por !p3, p1;
	s16 =	smov.u32 s14  }
0xf: {  	s14 =	sand.u32 @!p1 s18, s14;
	s17 =	simm.s32 @p2 $0xF41C8;
	s16 =	simm.s32 @p3 $0x40  }
0x10: {  	s15 =	ssub.s32 @!p1 s17, s15;
	s14 =	ssub.s32 @!p1 s16, s14  }
0x11: {  	s18 =	smov.u32 s12;
	s16 =	sadd.s32 @!p1 $0xFFF0BE38, s15;
	s17 =	sadd.s32 @!p1 $0xFFFFFFC0, s14  }
0x12: {  	s15 =	ssub.s32 @!p1 $0xF4248, s15;
	p2 =	sgt.s32 @!p1 s16, $0x7F;
	p3 =	sgt.s32 @!p1 s17, $0x3F  }
0x13: {  	s14 =	ssub.s32 @!p1 $0x80, s14;
	p2 =	por !p2, p1;
	p3 =	por !p3, p1  }
0x14: {  	s16 =	sadd.s32 $0x1000, s11;
	s15 =	simm.s32 @!p2 $0x0;
	s14 =	simm.s32 @!p3 $0x0  }
0x15: {  	p2 =	sgt.s32 s16, $0xF4240;
	s14 =	smul.u32 @!p1 s14, s15;
	s15 =	sadd.s32 $0x40, s12  }
0x16: {  	s18 =	smov.u32 @p2 s15  }
0x17: {  	s16 =	smov.u32 @p2 s3;
	p2 =	sgt.s32 s18, $0x3F  }
0x18: {  	s18 =	simm.s32 @p2 $0x0;
	p2 =	sne.s32 s13, s7  }
.Ltmp1:
0x19: {  	p0 =	por !p0, !p0;
	s17 =	simm.s32 @!p1 $0x2;
	(pc) =	sbr.rel @!p2 .LBB1_6-.Ltmp1, $4  }
0x1a: {  	s15 =	smov.u32 s9;
	s9 =	smov.u32 s11;
	s14 =	sand.u32 @!p1 $0x3FFFFFFF, s14  }
0x1b: {  	s11 =	smov.u32 s16;
	_ =	swait.ge @!p1 [sflag:s17], s14;
	s19 =	ssub.s32 @!p1 $0x0, s14  }
0x1c: {  	s14 =	smov.u32 s10;
	s13 =	sadd.s32 $0x1, s13;
	[sflag:s17] =	ssyncset.done @!p1 $0x0  }
0x1d: {  	s10 =	smov.u32 s12;
	s12 =	smov.u32 s18;
	[sflag:s17] =	ssyncadd.s32 @!p1 s19  }
.LBB1_1:
0x1e: {  	p1 =	sgt.u32 s13, s6  }
0x1f: {  	s16 =	sshrl.u32 @!p1 s12, $0x3  }
0x20: {  	s17 =	sshll.u32 @!p1 s11, $0x3;
	s16 =	smul.u32 @!p1 $0x7A1400, s16  }
0x21: {  	s18 =	sshll.u32 @!p1 s12, $0x7;
	s17 =	sand.u32 @!p1 $0xFFFFFC00, s17  }
0x22: {  	s16 =	sadd.s32 @!p1 s16, s17;
	s17 =	sand.u32 @!p1 $0x380, s18  }
0x23: {  	s18 =	sand.u32 @!p1 $0x7F, s11;
	s16 =	sor.u32 @!p1 s17, s16  }
0x24: {  	s17 =	sor.u32 @!p1 s18, s16  }
0x25: {  	s18 =	smulhi.u32 @!p1 $0x218D6287, s17;
	_ =	sdelay $0x1  }
0x26: {  	s16 =	smulhi.u32 @!p1 $0x218D6287, s16;
	s18 =	sshrl.u32 @!p1 s18, $0x11  }
0x27: {  	s18 =	smul.u32 @!p1 $0xF4280, s18  }
0x28: {  	s19 =	sxor.u32 @!p1 $0xFFFFFFFF, s13;
	s16 =	sshrl.u32 @!p1 s16, $0x11  }
0x29: {  	s19 =	sshll.u32 @!p1 s19, $0xD;
	s16 =	sand.u32 @!p1 $0x3F, s16;
	s17 =	ssub.s32 @!p1 s17, s18  }
0x2a: {  	s16 =	smul.u32 @!p1 $0x1E850, s16;
	s18 =	sshrl.u32 @!p1 s17, $0x3;
	s17 =	sand.u32 @!p1 $0x7, s17  }
0x2b: {  	s19 =	sand.u32 @!p1 $0x2000, s19;
	s18 =	sadd.s32 @!p1 s2, s18;
	s17 =	sshll.u32 @!p1 s17, $0x12  }
0x2c: {  	s16 =	sadd.s32 @!p1 s16, s18;
	s17 =	sor.u32 @!p1 $0x400, s17;
	s18 =	simm.s32 @!p1 $0x7A1400  }
0x2d: {  	[tilespmem:s19], [sflag:$0x1] =	stream.strided.gather @!p1 [hbm4b:s16+s17], $0x2000, s18, s17, $0x38;
	[tilespmem:$0x8100] =	vst v63  }
0x2e: {  	p1 =	seq.s32 s13, $0x0  }
0x2f: {  	p2 =	sge.u32 @!p1 s13, s7  }
0x30: {  	p1 =	por p1, p2  }
.Ltmp2:
0x31: {  	_ = 	snop;
	(pc) =	sbr.rel @p1 .LBB1_5-.Ltmp2, $1  }
0x32: {  	_ =	sdelay $0x3  }
0x33: {  	s16 =	simm.s32 $0x1  }
0x34: {  	_ =	swait.ge [sflag:s4], $0x2000;
	s16 =	simm.s32 @!p0 $0x0  }
0x35: {  	[sflag:s4] =	ssyncset.done $0x0;
	s17 =	sshll.u32 s16, $0xD  }
0x36: {  	[sflag:s4] =	ssyncadd.s32 $0xFFFFE000;
	s17 =	sor.u32 $0x40, s17  }
0x37: {  	s16 =	smul.u32 $0x8200, s16;
	v0 =	vld [tilespmem:s17+$0x30]  }
0x38: {  	v1 =	vld [tilespmem:s17+$0xFFFFFFD0]  }
0x39: {  	s16 =	sshrl.u32 s16, $0x2;
	v5 =	vld [tilespmem:s17+$0xFFFFFFE0]  }
0x3a: {  	v6 =	vld [tilespmem:s17+$0xFFFFFFF0];
	s19 =	sor.u32 $0x4000, s16  }
0x3b: {  	s31 =	sand.u32 $0x1, s13;
	v4 =	vld [tilespmem:s17+$0x0];
	s18 =	sadd.s32 $0x0, s19  }
0x3c: {  	v3 =	vld [tilespmem:s17+$0x10];
	s16 =	smul.u32 $0x8200, s31;
	[tilespmem:s18+$0x1C70 ss:$0x41] =	vst.msk $0xffff, v0  }
0x3d: {  	v2 =	vld [tilespmem:s17+$0x20];
	[tilespmem:s18+$0x410 ss:$0x41] =	vst.msk $0xffff, v1  }
0x3e: {  	s16 =	sshrl.u32 s16, $0x2;
	v1 =	vld [tilespmem:s17+$0xFFFFFFC0];
	[tilespmem:s18+$0x820 ss:$0x41] =	vst.msk $0xffff, v5;
	s17 =	sadd.s32 $0x80, s17  }
0x3f: {  	s20 =	simm.s32 $0x4;
	s21 =	simm.s32 $0x8;
	s16 =	sor.u32 $0x4000, s16;
	[tilespmem:s18+$0xC30 ss:$0x41] =	vst.msk $0xffff, v6;
	v0 =	vld [tilespmem:s17+$0x30]  }
.LBB1_3:
0x40: {  	p1 =	sne.s32 s21, $0xFC;
	v5 =	vld [tilespmem:s17+$0xFFFFFFD0];
	[tilespmem:s18+$0x1040 ss:$0x41] =	vst.msk $0xffff, v4  }
0x41: {  	v6 =	vld [tilespmem:s17+$0xFFFFFFE0];
	[tilespmem:s18+$0x1450 ss:$0x41] =	vst.msk $0xffff, v3  }
0x42: {  	s22 =	sshra.s32 s20, $0x2;
	s20 =	smov.u32 s21;
	v7 =	vld [tilespmem:s17+$0xFFFFFFF0];
	[tilespmem:s18+$0x1860 ss:$0x41] =	vst.msk $0xffff, v2  }
.Ltmp3:
0x43: {  	v4 =	vld [tilespmem:s17+$0x0];
	[tilespmem:s18+$0x0 ss:$0x41] =	vst.msk $0xffff, v1;
	s18 =	sadd.s32 s22, s19;
	(pc) =	sbr.rel @p1 .LBB1_3-.Ltmp3, $4  }
0x44: {  	v3 =	vld [tilespmem:s17+$0x10];
	[tilespmem:s18+$0x1C70 ss:$0x41] =	vst.msk $0xffff, v0  }
0x45: {  	[tilespmem:s18+$0x410 ss:$0x41] =	vst.msk $0xffff, v5;
	v2 =	vld [tilespmem:s17+$0x20]  }
0x46: {  	v1 =	vld [tilespmem:s17+$0xFFFFFFC0];
	[tilespmem:s18+$0x820 ss:$0x41] =	vst.msk $0xffff, v6;
	s17 =	sadd.s32 $0x80, s17  }
0x47: {  	s21 =	sadd.s32 $0x4, s21;
	v0 =	vld [tilespmem:s17+$0x30];
	[tilespmem:s18+$0xC30 ss:$0x41] =	vst.msk $0xffff, v7  }
0x48: {  	s21 =	sshll.u32 s9, $0x7;
	s22 =	sshll.u32 s10, $0x3;
	s20 =	sshra.s32 s20, $0x2  }
0x49: {  	p1 =	sgt.s32 s9, $0xF41C8;
	s30 =	sshra.s32 s9, $0x1F;
	s25 =	sshra.s32 s10, $0x1F  }
0x4a: {  	v5 =	vld [tilespmem:s17+$0xFFFFFFD0];
	s28 =	sshrl.u32 s10, $0x3;
	s23 =	sand.u32 $0xFFFFFC00, s21;
	s22 =	sand.u32 $0xFFFFFC00, s22  }
0x4b: {  	[tilespmem:s18+$0x1040 ss:$0x41] =	vst.msk $0xffff, v4;
	v58 =	vld [tilespmem:s17+$0xFFFFFFE0];
	s21 =	sand.u32 $0x380, s21;
	s19 =	sadd.s32 s20, s19;
	s22 =	sadd.s32 s22, s23  }
0x4c: {  	v59 =	vld [tilespmem:s17+$0xFFFFFFF0];
	[tilespmem:s18+$0x1450 ss:$0x41] =	vst.msk $0xffff, v3;
	s29 =	sor.u32 s21, s22;
	s21 =	smov.u32 s9;
	s22 =	sand.u32 s30, s9  }
0x4d: {  	v60 =	vld [tilespmem:s17+$0x0];
	[tilespmem:s18+$0x1860 ss:$0x41] =	vst.msk $0xffff, v2;
	s30 =	sand.u32 $0x7, s10;
	s20 =	sshrl.u32 s29, $0x7;
	s21 =	simm.s32 @!p1 $0xF41C8  }
0x4e: {  	v61 =	vld [tilespmem:s17+$0x10];
	[tilespmem:s18+$0x0 ss:$0x41] =	vst.msk $0xffff, v1;
	p1 =	sgt.s32 s10, $0x40;
	s24 =	ssub.s32 s21, s22;
	s21 =	smov.u32 s10  }
0x4f: {  	v62 =	vld [tilespmem:s17+$0x20];
	[tilespmem:s19+$0x1C70 ss:$0x41] =	vst.msk $0xffff, v0;
	s31 =	smulhi.u32 $0x218DDDB, s20;
	s22 =	sand.u32 s25, s10;
	s21 =	simm.s32 @!p1 $0x40  }
0x50: {  	v63 =	vld [tilespmem:s17+$0xFFFFFFC0];
	[tilespmem:s19+$0x410 ss:$0x41] =	vst.msk $0xffff, v5;
	s26 =	sadd.s32 $0xFFF0BE38, s24;
	s17 =	ssub.s32 $0xF4248, s24;
	s21 =	ssub.s32 s21, s22  }
0x51: {  	[tilespmem:s19+$0x820 ss:$0x41] =	vst.msk $0xffff, v58;
	s23 =	sshrl.u32 s31, $0xD;
	p1 =	sgt.s32 s26, $0x7F;
	s27 =	sadd.s32 $0xFFFFFFC0, s21  }
0x52: {  	[tilespmem:s19+$0xC30 ss:$0x41] =	vst.msk $0xffff, v59;
	s23 =	smul.u32 $0xF4248, s23;
	s18 =	ssub.s32 $0x80, s21;
	p2 =	sgt.s32 s27, $0x3F  }
.Ltmp4:
0x53: {  	[tilespmem:s19+$0x1040 ss:$0x41] =	vst.msk $0xffff, v60;
	s17 =	simm.s32 @p1 $0x0;
	s18 =	simm.s32 @p2 $0x0;
	(pc) =	sbr.rel .LBB1_5-.Ltmp4, $4  }
0x54: {  	s29 =	sand.u32 $0xF, s28;
	[tilespmem:s19+$0x1450 ss:$0x41] =	vst.msk $0xffff, v61;
	s20 =	ssub.s32 s20, s23;
	s17 =	smul.u32 s18, s17  }
0x55: {  	[tilespmem:s19+$0x1860 ss:$0x41] =	vst.msk $0xffff, v62;
	s21 =	sshll.u32 s30, $0x12;
	s20 =	sshll.u32 s20, $0x4;
	s18 =	sadd.s32 s5, s29  }
0x56: {  	[tilespmem:s19+$0x0 ss:$0x41] =	vst.msk $0xffff, v63;
	s31 =	sor.u32 $0x40, s21;
	s18 =	sadd.s32 s20, s18;
	s17 =	sand.u32 $0x3FFFFFFF, s17  }
0x57: {  	[hbm4b:s18+s31] =	stream.strided.scatter [tilespmem:s16], [sflag:$0x2], s17, s8, s31, $0x18;
	[tilespmem:$0x8100] =	vst v63  }
.LBB1_6:
0x58: {  	_ =	sfence.sel $0x180000  }
0x59: {  	s2 =	simm.s32 $0x1;
	[bflag:$0x0] =	sbarrier.arrive $0xFFFF  }
0x5a: {  	s31 =	simm.s32 $0x2;
	[sflag:s2] =	ssyncpa.u1 $0x1  }
0x5b: {  	[sflag:s31] =	ssyncpa.u1 $0x1  }
0x5c: {  	p0 =	sne.s32 s1, $0x0;
	_ =	strace $0x90000047  }
0x5d: {  	s0 =	sadd.s32 @!p0 $0x100000, s0;
	[bflag:$0x2] =	sbarrier.arrive $0xFFFF  }
0x5e: {  	[sflag:s0] =	ssyncadd.tile.s32 @!p0 $0x1;
	_ =	shalt  }
.Lfunc_end1:
_tile_overlayer_lowered:
.L_overlay_start_2:
0x5f: {  	(tag) =	ssettag $0x2  }
0x60: {  	s0 =	rddreg [dreg:$0x0];
	s2 =	stileid.u32  }
0x61: {  	s1 =	rddreg [dreg:$0x1];
	p0 =	sne.s32 s2, $0x0  }
0x62: {  	s3 =	rddreg [dreg:$0x2];
	[bflag:$0x3] =	sbarrier.arrive $0xFFFF;
	s2 =	simm.s32 @!p0 $0x1C01  }
0x63: {  	[timem:s3], [sflag:s2] =	dma.local @!p0 [hbm:s0], s1  }
0x64: {  	s0 =	simm.s32 @!p0 $0x1  }
0x65: {  	_ =	swait.ge @!p0 [sflag:s0], s1  }
0x66: {  	s1 =	ssub.s32 @!p0 $0x0, s1;
	[sflag:s0] =	ssyncset.done @!p0 $0x0  }
0x67: {  	[sflag:s0] =	ssyncadd.s32 @!p0 s1  }
0x68: {  	[bflag:$0x3] =	sbarrier.arrive $0xFFFF  }
0x69: {  	_ =	shalt  }

// kernel: sparse-core-data-format-call.cloned.1.call-start
scs
called_computation_lowered:
.L_overlay_start_0:
0x0: {  	s2 =	sld [smem:$0x3FD9]  }
0x1: {  	s3 =	sld [smem:$0x3FFE];
	_ =	sdelay $0x1  }
0x2: {  	s1 =	srdreg.scid  }
0x3: {  	s0 =	sand.u32 $0x1, s1  }
0x4: {  	s15 =	sshll.u32 s0, $0xA;
	s2 =	sadd.s32 s3, s2  }
0x5: {  	s2 =	sadd.s32 s2, s15  }
0x6: {  	[smem:$0x3FC3] =	sst s2  }
0x7: {  	_ = 	snop  }
0x8: {  	s2 =	sld [smem:$0x3FD0];
	_ =	sdelay $0x2  }
0x9: {  	s16 =	simm.s32 $0xA;
	s4 =	simm.s32 $0x10  }
0xa: {  	[smem:s4], [sflag:s16] =	dma.local [hbm:s2], $0x1  }
0xb: {  	_ =	swait.eq [sflag:s16], $0x1  }
0xc: {  	[sflag:s16] =	ssyncset.done $0x0  }
0xd: {  	[sflag:s16] =	ssyncadd.s32 $0xFFFFFFFF  }
0xe: {  	s17 =	sld [smem:$0x10];
	(tm) =	ssettm $0x1  }
0xf: {  	s18 =	sld [smem:$0x3FFB];
	_ =	sdelay $0x3  }
0x10: {  	_ =	strace s18  }
0x11: {  	s3 =	sld [smem:$0x3FFC];
	_ =	sdelay $0x3  }
0x12: {  	_ =	strace s3  }
0x13: {  	s3 =	sld [smem:$0x3FFD];
	_ =	sdelay $0x3  }
0x14: {  	_ =	strace s3  }
0x15: {  	_ =	strace $0x8FFFFFFF  }
0x16: {  	s19 =	sld [smem:$0x3FDB];
	_ =	sdelay $0x1  }
0x17: {  	s20 =	simm.s32 $_scs_section_size  }
0x18: {  	s5 =	simm.s32 $_size__tile_overlayer_lowered;
	s6 =	simm.s32 $_tile_overlayer_lowered  }
0x19: {  	s23 =	simm.s32 $0x1BFF;
	s22 =	sshll.u32 s6, $0x1;
	s3 =	sadd.s32 s20, s19  }
0x1a: {  	s7 =	simm.s32 $0x0;
	s21 =	sshll.u32 s5, $0x1;
	s5 =	sadd.s32 s22, s3  }
0x1b: {  	[timem:s7], [sflag:s23] =	dma.local [hbm:s5], s21  }
0x1c: {  	_ =	swait.ge [sflag:s23], s21  }
0x1d: {  	s4 =	ssub.s32 $0x0, s21;
	[sflag:s23] =	ssyncset.done $0x0  }
0x1e: {  	[sflag:s23] =	ssyncadd.s32 s4;
	_ =	sdelay $0x1  }
0x1f: {  	s24 =	simm.s32 $0x1B8B  }
0x20: {  	_ =	swait.ge [sflag:s24], $0x1  }
0x21: {  	[sflag:s24] =	ssyncset.done $0x0  }
0x22: {  	s26 =	simm.s32 $0x1B8E;
	s25 =	sld [smem:$0x3FFE];
	[sflag:s24] =	ssyncadd.s32 $0xFFFFFFFF  }
0x23: {  	s27 =	simm.s32 $execute0_lowered;
	[smem:$0x3FD2] =	sst s26  }
0x24: {  	s5 =	sshll.u32 s27, $0x1;
	_ =	strace $0x8000004C;
	[dreg:$0x1] =	wrdreg $0xFFFFFFFF  }
0x25: {  	s28 =	simm.s32 $_size_execute0_lowered;
	s3 =	sadd.s32 s3, s5;
	[dreg:$0x0] =	wrdreg $0x0  }
0x26: {  	s5 =	sshll.u32 s28, $0x1;
	[dreg:$0x2] =	wrdreg s3  }
0x27: {  	[dreg:$0x3] =	wrdreg s5  }
0x28: {  	[dreg:$0x4] =	wrdreg $0xC0  }
0x29: {  	_ =	task [dreg:s7], $0x5FFFF  }
0x2a: {  	[dreg:$0x1] =	wrdreg $0xFFFFFFFF  }
0x2b: {  	[dreg:$0x0] =	wrdreg $0x60  }
0x2c: {  	[dreg:$0x2] =	wrdreg s25  }
0x2d: {  	[dreg:$0x3] =	wrdreg s17  }
0x2e: {  	[dreg:$0x4] =	wrdreg $0x9  }
0x2f: {  	_ =	task.clear_ibuf [dreg:s7], $0x5FFFF;
	_ =	strace $0x9000004C  }
0x30: {  	s29 =	simm.s32 $0x9;
	_ =	strace $0x8000004E  }
0x31: {  	_ =	swait.ge [sflag:s29], $0x1  }
0x32: {  	[sflag:s29] =	ssyncadd.s32 $0xFFFFFFFF  }
0x33: {  	_ =	strace $0x9000004E  }
0x34: {  	_ =	sfence  }
0x35: {  	s30 =	sld [smem:$0x0];
	_ =	sdelay $0x2  }
0x36: {  	s31 =	sshll.u32 s1, $0xD;
	s1 =	sshrl.u32 s1, $0x2  }
0x37: {  	s3 =	sand.u32 $0x4000, s31;
	s1 =	sadd.s32 s1, s30  }
0x38: {  	s0 =	sor.u32 s3, s0;
	s1 =	sshll.u32 s1, $0x11  }
0x39: {  	s0 =	sor.u32 s1, s0  }
0x3a: {  	s0 =	sadd.s32 $0x8F2B, s0  }
0x3b: {  	[sflag:s0] =	ssyncadd.remote.s32 $0x1  }
0x3c: {  	_ =	sfence.sel $0xFFFF  }
0x3d: {  	[dreg:$0x0] =	wrdreg $0xFFFFFFFF;
	(pc) =	sbr.abs _section_cstart, $3  }
0x3e: {  	[dreg:$0x1] =	wrdreg $0xFFFFFFFF  }
0x3f: {  	_ =	task.clear_ibuf [dreg:s7], $0x2FFFF;
	_ =	strace $0x9FFFFFFF  }
0x40: {  	(tm) =	ssettm $0x7FFFFFFF  }
0x41: {  	_ =	shalt  }
tec
execute0_lowered:
.L_overlay_start_1:
0x0: {  	(tag) =	ssettag $0x1  }
0x1: {  	s0 =	srdreg.scid  }
0x2: {  	s1 =	sshll.u32 s0, $0x4  }
0x3: {  	s0 =	stileid.u32;
	s1 =	sand.u32 $0x10, s1  }
0x4: {  	s1 =	sor.u32 s0, s1  }
0x5: {  	s6 =	rddreg [dreg:$0x0];
	s4 =	simm.s32 $0x1;
	s2 =	sshll.u32 s1, $0x7  }
0x6: {  	s7 =	simm.s32 $0x2;
	s12 =	simm.s32 $0x0;
	s1 =	ssub.s32 $0x1000, s2  }
0x7: {  	s8 =	simm.s32 $0x8000;
	s13 =	simm.s32 $0x0;
	s3 =	sand.u32 $0xF80, s1  }
0x8: {  	s9 =	simm.s32 $0x0;
	s5 =	sshrl.u32 s1, $0xC;
	p0 =	sne.s32 s3, $0x0  }
.Ltmp0:
0x9: {  	s1 =	rddreg [dreg:$0x2];
	s4 =	simm.s32 @!p0 $0x0;
	(pc) =	sbr.rel .LBB1_1-.Ltmp0, $4  }
0xa: {  	s11 =	simm.s32 $0x0;
	s3 =	rddreg [dreg:$0x1];
	s5 =	sadd.s32 s4, s5  }
0xb: {  	_ =	strace $0x8000004D;
	s4 =	simm.s32 $0x1;
	s5 =	smul.u32 $0xC8, s5  }
0xc: {  	s6 =	sadd.s32 $0x1400, s6;
	s10 =	smov.u32 s2;
	[sflag:s4] =	ssyncpa.u1 $0x0  }
0xd: {  	p0 =	por $0x0, $0x0;
	[sflag:s7] =	ssyncpa.u1 $0x0;
	s7 =	sor.u32 $0x1, s5  }
.LBB1_4:
0xe: {  	s16 =	sshll.u32 s13, $0x3;
	s17 =	sand.u32 $0x78, s13  }
0xf: {  	s30 =	sand.u32 $0x7E00, s13;
	s12 =	sshll.u32 s12, $0xF;
	s16 =	sand.u32 $0xC00, s16  }
0x10: {  	[tilespmem:s15+$0x810 ss:$0x81] =	vst.msk $0xffff, v2;
	s31 =	sand.u32 $0x7, s13;
	s16 =	sor.u32 s17, s16;
	s17 =	sadd.s32 s3, s30  }
0x11: {  	[tilespmem:s15+$0x1020 ss:$0x81] =	vst.msk $0xffff, v0;
	s13 =	sshll.u32 s31, $0x12;
	s12 =	sadd.s32 s12, s17;
	s16 =	sshrl.u32 s16, $0x3  }
0x12: {  	[tilespmem:s15+$0x0 ss:$0x81] =	vst.msk $0xffff, v1;
	s13 =	sor.u32 $0x400, s13;
	s12 =	sadd.s32 s16, s12  }
0x13: {  	[hbm4b:s12+s13] =	stream.strided.scatter [tilespmem:s14], [sflag:$0x2], $0x2000, s8, s13, $0x20;
	[tilespmem:$0x8080] =	vst v63  }
.LBB1_5:
0x14: {  	s14 =	sadd.s32 $0x1, s9  }
0x15: {  	s12 =	sadd.s32 $0x1000, s10;
	s16 =	smov.u32 s10;
	p2 =	sgt.s32 s14, $0xC7  }
0x16: {  	s16 =	smov.u32 @p2 s12  }
0x17: {  	s14 =	simm.s32 @p2 $0x0;
	p2 =	sgt.s32 s16, $0xFFF  }
0x18: {  	s16 =	smov.u32 @p2 s2;
	p2 =	sne.s32 s11, s7  }
.Ltmp1:
0x19: {  	p1 =	slt.u32 s11, $0x2;
	(pc) =	sbr.rel @!p2 .LBB1_6-.Ltmp1, $4  }
0x1a: {  	s15 =	simm.s32 @!p1 $0x2  }
0x1b: {  	s13 =	smov.u32 s10;
	p0 =	por !p0, !p0;
	_ =	swait.ge @!p1 [sflag:s15], $0x2000  }
0x1c: {  	s12 =	smov.u32 s9;
	[sflag:s15] =	ssyncset.done @!p1 $0x0;
	s9 =	smov.u32 s14  }
0x1d: {  	s11 =	sadd.s32 $0x1, s11;
	[sflag:s15] =	ssyncadd.s32 @!p1 $0xFFFFE000;
	s10 =	smov.u32 s16  }
.LBB1_1:
0x1e: {  	p1 =	sge.u32 s11, s5  }
0x1f: {  	s14 =	sand.u32 @!p1 $0x1FFFFFF, s9  }
0x20: {  	s15 =	smulhi.u32 @!p1 $0x147AE15, s14;
	_ =	sdelay $0x1  }
0x21: {  	s15 =	smul.u32 @!p1 $0xC8, s15  }
0x22: {  	s16 =	sxor.u32 @!p1 $0xFFFFFFFF, s11;
	s17 =	smul.u32 @!p1 $0xC80, s10  }
0x23: {  	s31 =	sadd.s32 $0xFFFFFFFF, s11;
	s16 =	sshll.u32 @!p1 s16, $0xD;
	s14 =	ssub.s32 @!p1 s14, s15  }
0x24: {  	s15 =	sand.u32 @!p1 $0x2000, s16;
	s16 =	sadd.s32 @!p1 s6, s17;
	s14 =	sshll.u32 @!p1 s14, $0x4  }
0x25: {  	s17 =	simm.s32 @!p1 $0x6400;
	s14 =	sadd.s32 @!p1 s14, s16;
	s16 =	simm.s32 @!p1 $0x40  }
0x26: {  	[tilespmem:s15], [sflag:$0x1] =	stream.strided.gather @!p1 [hbm4b:s14+s16], $0x2000, s17, s16, $0x38;
	[tilespmem:$0x8080] =	vst v63  }
0x27: {  	p1 =	sge.u32 s31, s5  }
.Ltmp2:
0x28: {  	_ = 	snop;
	(pc) =	sbr.rel @p1 .LBB1_5-.Ltmp2, $1  }
0x29: {  	_ =	sdelay $0x3  }
0x2a: {  	s14 =	simm.s32 $0x1  }
0x2b: {  	_ =	swait.ge [sflag:s4], $0x2000;
	s14 =	simm.s32 @!p0 $0x0  }
0x2c: {  	[sflag:s4] =	ssyncset.done $0x0;
	s15 =	sshll.u32 s14, $0xD  }
0x2d: {  	[sflag:s4] =	ssyncadd.s32 $0xFFFFE000;
	s18 =	sor.u32 $0x20, s15  }
0x2e: {  	s14 =	smul.u32 $0x8100, s14;
	v3 =	vld [tilespmem:s18+$0x10]  }
0x2f: {  	s30 =	sand.u32 $0x1, s11;
	v2 =	vld [tilespmem:s18+$0xFFFFFFF0]  }
0x30: {  	s15 =	smul.u32 $0x8100, s30;
	s14 =	sshrl.u32 s14, $0x2;
	v0 =	vld [tilespmem:s18+$0x0]  }
0x31: {  	v1 =	vld [tilespmem:s18+$0xFFFFFFE0];
	s16 =	sor.u32 $0x4000, s14  }
0x32: {  	s31 =	sshrl.u32 s15, $0x2;
	s15 =	sadd.s32 $0x0, s16  }
0x33: {  	s17 =	simm.s32 $0x4;
	s18 =	sadd.s32 $0x40, s18;
	s14 =	sor.u32 $0x4000, s31;
	[tilespmem:s15+$0x1830 ss:$0x81] =	vst.msk $0xffff, v3  }
.LBB1_3:
0x34: {  	v3 =	vld [tilespmem:s18+$0x10];
	p1 =	sne.s32 s17, $0x1FC;
	[tilespmem:s15+$0x810 ss:$0x81] =	vst.msk $0xffff, v2;
	s19 =	smov.u32 s17;
	s17 =	sadd.s32 $0x4, s17  }
.Ltmp3:
0x35: {  	v2 =	vld [tilespmem:s18+$0xFFFFFFF0];
	[tilespmem:s15+$0x1020 ss:$0x81] =	vst.msk $0xffff, v0;
	(pc) =	sbr.rel @p1 .LBB1_3-.Ltmp3, $4  }
0x36: {  	v0 =	vld [tilespmem:s18+$0x0];
	[tilespmem:s15+$0x0 ss:$0x81] =	vst.msk $0xffff, v1  }
0x37: {  	s15 =	sshra.s32 s19, $0x2;
	v1 =	vld [tilespmem:s18+$0xFFFFFFE0]  }
0x38: {  	s15 =	sadd.s32 s15, s16  }
0x39: {  	s18 =	sadd.s32 $0x40, s18;
	[tilespmem:s15+$0x1830 ss:$0x81] =	vst.msk $0xffff, v3  }
.Ltmp4:
0x3a: {  	_ = 	snop;
	(pc) =	sbr.rel .LBB1_4-.Ltmp4, $1  }
0x3b: {  	_ =	sdelay $0x3  }
.LBB1_6:
0x3c: {  	_ =	sfence.sel $0x180000  }
0x3d: {  	s2 =	simm.s32 $0x1;
	[bflag:$0x0] =	sbarrier.arrive $0xFFFF  }
0x3e: {  	s31 =	simm.s32 $0x2;
	[sflag:s2] =	ssyncpa.u1 $0x1  }
0x3f: {  	[sflag:s31] =	ssyncpa.u1 $0x1  }
0x40: {  	p0 =	sne.s32 s0, $0x0;
	_ =	strace $0x9000004D  }
0x41: {  	s0 =	sadd.s32 @!p0 $0x100000, s1;
	[bflag:$0x2] =	sbarrier.arrive $0xFFFF  }
0x42: {  	[sflag:s0] =	ssyncadd.tile.s32 @!p0 $0x1;
	_ =	shalt  }
.Lfunc_end1:
_tile_overlayer_lowered:
.L_overlay_start_2:
0x43: {  	(tag) =	ssettag $0x2  }
0x44: {  	s0 =	rddreg [dreg:$0x0];
	s2 =	stileid.u32  }
0x45: {  	s1 =	rddreg [dreg:$0x1];
	p0 =	sne.s32 s2, $0x0  }
0x46: {  	s3 =	rddreg [dreg:$0x2];
	[bflag:$0x3] =	sbarrier.arrive $0xFFFF;
	s2 =	simm.s32 @!p0 $0x1C01  }
0x47: {  	[timem:s3], [sflag:s2] =	dma.local @!p0 [hbm:s0], s1  }
0x48: {  	s0 =	simm.s32 @!p0 $0x1  }
0x49: {  	_ =	swait.ge @!p0 [sflag:s0], s1  }
0x4a: {  	s1 =	ssub.s32 @!p0 $0x0, s1;
	[sflag:s0] =	ssyncset.done @!p0 $0x0  }
0x4b: {  	[sflag:s0] =	ssyncadd.s32 @!p0 s1  }
0x4c: {  	[bflag:$0x3] =	sbarrier.arrive $0xFFFF  }
0x4d: {  	_ =	shalt  }

</sc_bundles>
